<compile_context>
chip_gen: v7x
topology: tpu7x:2x2x1
jax: 0.10.2.dev20260603
libtpu: 0.0.44.dev20260713+nightly
codegen_flags: <defaults>
</compile_context>

<pallas_src>
import functools

import jax
import jax.numpy as jnp
from jax import lax
from jax.experimental import pallas as pl
from jax.experimental.pallas import tpu as pltpu
from jax.experimental.pallas import tpu_sc as plsc

NC = 2
NS = 16
NW = NC * NS
CH = 128
D = 8


@functools.partial(jax.jit, static_argnums=(2, 3))
def _gather_call(idx2d, table, n_rows, dim):
    n_chunks = n_rows // CH
    cw = n_chunks // NW
    mesh = plsc.VectorSubcoreMesh(core_axis_name="c", subcore_axis_name="s")

    @functools.partial(
        pl.kernel,
        mesh=mesh,
        out_type=jax.ShapeDtypeStruct((n_rows, dim), jnp.float32),
        scratch_types=[
            pltpu.VMEM((cw, CH), jnp.int32),
            pltpu.VMEM((D, CH, dim), jnp.float32),
            [pltpu.SemaphoreType.DMA] * D,
            [pltpu.SemaphoreType.DMA] * D,
        ],
        compiler_params=pltpu.CompilerParams(use_tc_tiling_on_sc=False),
    )
    def body(idx_hbm, table_hbm, out_hbm, idx_v, buf, gsems, osems):
        wid = lax.axis_index("s") * NC + lax.axis_index("c")
        c0 = wid * cw
        pltpu.sync_copy(idx_hbm.at[pl.ds(c0, cw)], idx_v)

        def issue_gather(c, s):
            pltpu.async_copy(table_hbm.at[idx_v.at[c]], buf.at[s], gsems[s])

        def drain_gather_issue_write(c, s):
            pltpu.make_async_copy(
                table_hbm.at[idx_v.at[c]], buf.at[s], gsems[s]
            ).wait()
            r = (c0 + c) * CH
            pltpu.async_copy(buf.at[s], out_hbm.at[pl.ds(r, CH)], osems[s])

        def wait_write(s):
            pltpu.make_async_copy(
                buf.at[s], out_hbm.at[pl.ds(0, CH)], osems[s]
            ).wait()

        def ring_pass(i, _):
            for b in range(D):
                c = i * D + b

                @pl.when(i > 0)
                def _():
                    wait_write(b)

                issue_gather(c, b)
                if b == 0:
                    @pl.when(i > 0)
                    def _():
                        drain_gather_issue_write(c - 1, D - 1)
                else:
                    drain_gather_issue_write(c - 1, b - 1)
            return _

        lax.fori_loop(0, cw // D, ring_pass, None)
        drain_gather_issue_write(cw - 1, D - 1)
        for s in range(D):
            wait_write(s)

    return body(idx2d, table)


def kernel(x, table):
    bsz, seq = x.shape
    dim = table.shape[1]
    n_rows = bsz * seq
    idx2d = x.astype(jnp.int32).reshape(n_rows // CH, CH)
    out = _gather_call(idx2d, table, n_rows, dim)
    return out.reshape(bsz, seq, dim)

# --- scband reference (transcript-rebuilt; emitter-appended) ---
"""Pipeline reference for scband-embedding-88553635709376 (READ-ONLY COPY).

The authoritative reference and input builder live on the scoring server;
editing this copy changes nothing except your own understanding.
"""

import jax, jax.numpy as jnp
import numpy as np

NUM_EMBEDDINGS = 1000000
EMBEDDING_DIM = 64


def setup_inputs(seed: int = 0) -> dict:
    key = jax.random.key(seed)
    k_idx, k_tab = jax.random.split(key)
    x = jax.random.randint(k_idx, (16384, 26), 0, NUM_EMBEDDINGS, dtype=jnp.int64 if jax.config.jax_enable_x64 else jnp.int32)
    table = jax.random.normal(k_tab, (NUM_EMBEDDINGS, EMBEDDING_DIM), dtype=jnp.float32)
    return {"x": x, "table": table}


def reference(x, table):
    # nn.Embedding forward: gather rows of the table by index
    return jnp.take(table, x, axis=0)

if __name__ == "__main__":
    import jax
    _d = setup_inputs()
    print(jax.jit(kernel)(*tuple(_d.values())))

</pallas_src>

<mosaic_0001>
#map = affine_map<(d0, d1) -> (0, 0)>
module attributes {stable_mosaic.version = 14 : i64} {
  func.func @body(%arg0: i32, %arg1: i32, %arg2: memref<3328x128xi32, #tpu.memory_space<hbm>>, %arg3: memref<1000000x64xf32, #tpu.memory_space<hbm>>, %arg4: memref<425984x64xf32, #tpu.memory_space<hbm>>, %arg5: memref<104x128xi32, #tpu.memory_space<vmem>>, %arg6: memref<8x128x64xf32, #tpu.memory_space<vmem>>, %arg7: memref<!tpu.dma_semaphore, #tpu.memory_space<semaphore_mem>>, %arg8: memref<!tpu.dma_semaphore, #tpu.memory_space<semaphore_mem>>, %arg9: memref<!tpu.dma_semaphore, #tpu.memory_space<semaphore_mem>>, %arg10: memref<!tpu.dma_semaphore, #tpu.memory_space<semaphore_mem>>, %arg11: memref<!tpu.dma_semaphore, #tpu.memory_space<semaphore_mem>>, %arg12: memref<!tpu.dma_semaphore, #tpu.memory_space<semaphore_mem>>, %arg13: memref<!tpu.dma_semaphore, #tpu.memory_space<semaphore_mem>>, %arg14: memref<!tpu.dma_semaphore, #tpu.memory_space<semaphore_mem>>, %arg15: memref<!tpu.dma_semaphore, #tpu.memory_space<semaphore_mem>>, %arg16: memref<!tpu.dma_semaphore, #tpu.memory_space<semaphore_mem>>, %arg17: memref<!tpu.dma_semaphore, #tpu.memory_space<semaphore_mem>>, %arg18: memref<!tpu.dma_semaphore, #tpu.memory_space<semaphore_mem>>, %arg19: memref<!tpu.dma_semaphore, #tpu.memory_space<semaphore_mem>>, %arg20: memref<!tpu.dma_semaphore, #tpu.memory_space<semaphore_mem>>, %arg21: memref<!tpu.dma_semaphore, #tpu.memory_space<semaphore_mem>>, %arg22: memref<!tpu.dma_semaphore, #tpu.memory_space<semaphore_mem>>) attributes {dimension_semantics = [#tpu.dimension_semantics<core_parallel>, #tpu.dimension_semantics<subcore_parallel>], iteration_bounds = array<i64: 2, 16>, scalar_prefetch = 0 : i64, scratch_operands = 18 : i64, tpu.core_type = #tpu.core_type<sc_vector_subcore>, window_params = [{transform_indices = #map}, {transform_indices = #map}, {transform_indices = #map}]} {
    %mul3A = arith.constant 2 : i32
    %mul3A_0 = arith.muli %arg1, %mul3A : i32
    %add3A = arith.addi %mul3A_0, %arg0 : i32
    %mul3A_1 = arith.constant 104 : i32
    %mul3A_2 = arith.muli %add3A, %mul3A_1 : i32
    "tpu.region"() ({
      %run_scoped3A = tpu.sem_alloc : memref<!tpu.dma_semaphore, #tpu.memory_space<semaphore_mem>>
      %dma_start3A_154 = arith.constant 0 : i32
      %dma_start3A_155 = tpu.memref_slice %arg2[%mul3A_2, %dma_start3A_154] : memref<3328x128xi32, #tpu.memory_space<hbm>> -> memref<104x128xi32, #tpu.memory_space<hbm>>
      %dma_start3A_156 = arith.constant 0 : i32
      %dma_start3A_157 = tpu.memref_slice %arg2[%mul3A_2, %dma_start3A_156] : memref<3328x128xi32, #tpu.memory_space<hbm>> -> memref<104x128xi32, #tpu.memory_space<hbm>>
      tpu.enqueue_dma source(%dma_start3A_157 : memref<104x128xi32, #tpu.memory_space<hbm>>) target(%arg5 : memref<104x128xi32, #tpu.memory_space<vmem>>) target_semaphore(%run_scoped3A : memref<!tpu.dma_semaphore, #tpu.memory_space<semaphore_mem>>)
      %dma_wait3A_158 = arith.constant 0 : i32
      %dma_wait3A_159 = tpu.memref_slice %arg2[%mul3A_2, %dma_wait3A_158] : memref<3328x128xi32, #tpu.memory_space<hbm>> -> memref<104x128xi32, #tpu.memory_space<hbm>>
      %dma_wait3A_160 = arith.constant 0 : i32
      %dma_wait3A_161 = tpu.memref_slice %arg2[%mul3A_2, %dma_wait3A_160] : memref<3328x128xi32, #tpu.memory_space<hbm>> -> memref<104x128xi32, #tpu.memory_space<hbm>>
      tpu.wait_dma2 semaphore(%run_scoped3A : memref<!tpu.dma_semaphore, #tpu.memory_space<semaphore_mem>>) src(%dma_wait3A_161 : memref<104x128xi32, #tpu.memory_space<hbm>>) dst(%arg5 : memref<104x128xi32, #tpu.memory_space<vmem>>)
      tpu.yield
    }) : () -> ()
    %scan3A = arith.constant 0 : i32
    %scan3A_3 = arith.constant 13 : i32
    %scan3A_4 = arith.addi %scan3A, %scan3A_3 : i32
    %scan3A_5 = arith.constant 1 : i32
    scf.for %scan3A_154 = %scan3A to %scan3A_4 step %scan3A_5  : i32 {
      %mul3A_155 = arith.constant 8 : i32
      %mul3A_156 = arith.muli %scan3A_154, %mul3A_155 : i32
      %add3A_157 = arith.constant 0 : i32
      %add3A_158 = arith.addi %mul3A_156, %add3A_157 : i32
      %gt3A = arith.constant 0 : i32
      %gt3A_159 = arith.cmpi sgt, %scan3A_154, %gt3A : i32
      %convert_element_type3A = arith.extui %gt3A_159 : i1 to i32
      %cond3A = arith.constant 0 : i32
      %cond3A_160 = arith.cmpi ne, %convert_element_type3A, %cond3A : i32
      scf.if %cond3A_160 {
        %dma_wait3A_519 = arith.constant 0 : i32
        %dma_wait3A_520 = arith.constant 0 : i32
        %dma_wait3A_521 = arith.constant 0 : i32
        %dma_wait3A_522 = tpu.memref_slice %arg6[%dma_wait3A_519, %dma_wait3A_520, %dma_wait3A_521] : memref<8x128x64xf32, #tpu.memory_space<vmem>> -> memref<1x128x64xf32, #tpu.memory_space<vmem>>
        %dma_wait3A_523 = tpu.memref_squeeze %dma_wait3A_522 : memref<1x128x64xf32, #tpu.memory_space<vmem>> -> memref<128x64xf32, #tpu.memory_space<vmem>>
        %dma_wait3A_524 = arith.constant 0 : i32
        %dma_wait3A_525 = arith.constant 0 : i32
        %dma_wait3A_526 = tpu.memref_slice %arg4[%dma_wait3A_524, %dma_wait3A_525] : memref<425984x64xf32, #tpu.memory_space<hbm>> -> memref<128x64xf32, #tpu.memory_space<hbm>>
        %dma_wait3A_527 = arith.constant 0 : i32
        %dma_wait3A_528 = arith.constant 0 : i32
        %dma_wait3A_529 = tpu.memref_slice %arg4[%dma_wait3A_527, %dma_wait3A_528] : memref<425984x64xf32, #tpu.memory_space<hbm>> -> memref<128x64xf32, #tpu.memory_space<hbm>>
        %dma_wait3A_530 = arith.constant 0 : i32
        %dma_wait3A_531 = arith.constant 0 : i32
        %dma_wait3A_532 = tpu.memref_slice %arg6[%dma_wait3A_519, %dma_wait3A_530, %dma_wait3A_531] : memref<8x128x64xf32, #tpu.memory_space<vmem>> -> memref<1x128x64xf32, #tpu.memory_space<vmem>>
        %dma_wait3A_533 = tpu.memref_squeeze %dma_wait3A_532 : memref<1x128x64xf32, #tpu.memory_space<vmem>> -> memref<128x64xf32, #tpu.memory_space<vmem>>
        tpu.wait_dma2 semaphore(%arg15 : memref<!tpu.dma_semaphore, #tpu.memory_space<semaphore_mem>>) src(%dma_wait3A_533 : memref<128x64xf32, #tpu.memory_space<vmem>>) dst(%dma_wait3A_529 : memref<128x64xf32, #tpu.memory_space<hbm>>)
      } else {
      }
      %dma_start3A_161 = arith.constant 0 : i32
      %dma_start3A_162 = arith.constant 0 : i32
      %dma_start3A_163 = arith.constant 0 : i32
      %dma_start3A_164 = tpu.memref_slice %arg6[%dma_start3A_161, %dma_start3A_162, %dma_start3A_163] : memref<8x128x64xf32, #tpu.memory_space<vmem>> -> memref<1x128x64xf32, #tpu.memory_space<vmem>>
      %dma_start3A_165 = tpu.memref_squeeze %dma_start3A_164 : memref<1x128x64xf32, #tpu.memory_space<vmem>> -> memref<128x64xf32, #tpu.memory_space<vmem>>
      %dma_start3A_166 = arith.constant 0 : i32
      %dma_start3A_167 = tpu.memref_slice %arg5[%add3A_158, %dma_start3A_166] : memref<104x128xi32, #tpu.memory_space<vmem>> -> memref<1x128xi32, #tpu.memory_space<vmem>>
      %dma_start3A_168 = tpu.memref_squeeze %dma_start3A_167 : memref<1x128xi32, #tpu.memory_space<vmem>> -> memref<128xi32, #tpu.memory_space<vmem>>
      %dma_start3A_169 = arith.constant 0 : i32
      %dma_start3A_170 = arith.constant 0 : i32
      %dma_start3A_171 = tpu.memref_slice %arg3[%dma_start3A_169, %dma_start3A_170] : memref<1000000x64xf32, #tpu.memory_space<hbm>> -> memref<1000000x64xf32, #tpu.memory_space<hbm>>
      tpu.enqueue_indirect_dma source(%dma_start3A_171 : memref<1000000x64xf32, #tpu.memory_space<hbm>>) target(%dma_start3A_165 : memref<128x64xf32, #tpu.memory_space<vmem>>) offsets(%dma_start3A_168 : memref<128xi32, #tpu.memory_space<vmem>>) semaphore(%arg7 : memref<!tpu.dma_semaphore, #tpu.memory_space<semaphore_mem>>)
      %gt3A_172 = arith.constant 0 : i32
      %gt3A_173 = arith.cmpi sgt, %scan3A_154, %gt3A_172 : i32
      %convert_element_type3A_174 = arith.extui %gt3A_173 : i1 to i32
      %cond3A_175 = arith.constant 0 : i32
      %cond3A_176 = arith.cmpi ne, %convert_element_type3A_174, %cond3A_175 : i32
      scf.if %cond3A_176 {
        %sub3A_519 = arith.constant 1 : i32
        %sub3A_520 = arith.subi %add3A_158, %sub3A_519 : i32
        %dma_wait3A_521 = arith.constant 7 : i32
        %dma_wait3A_522 = arith.constant 0 : i32
        %dma_wait3A_523 = arith.constant 0 : i32
        %dma_wait3A_524 = tpu.memref_slice %arg6[%dma_wait3A_521, %dma_wait3A_522, %dma_wait3A_523] : memref<8x128x64xf32, #tpu.memory_space<vmem>> -> memref<1x128x64xf32, #tpu.memory_space<vmem>>
        %dma_wait3A_525 = tpu.memref_squeeze %dma_wait3A_524 : memref<1x128x64xf32, #tpu.memory_space<vmem>> -> memref<128x64xf32, #tpu.memory_space<vmem>>
        %dma_wait3A_526 = arith.constant 0 : i32
        %dma_wait3A_527 = tpu.memref_slice %arg5[%sub3A_520, %dma_wait3A_526] : memref<104x128xi32, #tpu.memory_space<vmem>> -> memref<1x128xi32, #tpu.memory_space<vmem>>
        %dma_wait3A_528 = tpu.memref_squeeze %dma_wait3A_527 : memref<1x128xi32, #tpu.memory_space<vmem>> -> memref<128xi32, #tpu.memory_space<vmem>>
        %dma_wait3A_529 = arith.constant 0 : i32
        %dma_wait3A_530 = arith.constant 0 : i32
        %dma_wait3A_531 = tpu.memref_slice %arg3[%dma_wait3A_529, %dma_wait3A_530] : memref<1000000x64xf32, #tpu.memory_space<hbm>> -> memref<1000000x64xf32, #tpu.memory_space<hbm>>
        tpu.wait_indirect_dma semaphore(%arg14 : memref<!tpu.dma_semaphore, #tpu.memory_space<semaphore_mem>>) src(%dma_wait3A_531 : memref<1000000x64xf32, #tpu.memory_space<hbm>>) dst(%dma_wait3A_525 : memref<128x64xf32, #tpu.memory_space<vmem>>)
        %add3A_532 = arith.addi %mul3A_2, %sub3A_520 : i32
        %mul3A_533 = arith.constant 128 : i32
        %mul3A_534 = arith.muli %add3A_532, %mul3A_533 : i32
        %dma_start3A_535 = arith.constant 7 : i32
        %dma_start3A_536 = arith.constant 0 : i32
        %dma_start3A_537 = arith.constant 0 : i32
        %dma_start3A_538 = tpu.memref_slice %arg6[%dma_start3A_535, %dma_start3A_536, %dma_start3A_537] : memref<8x128x64xf32, #tpu.memory_space<vmem>> -> memref<1x128x64xf32, #tpu.memory_space<vmem>>
        %dma_start3A_539 = tpu.memref_squeeze %dma_start3A_538 : memref<1x128x64xf32, #tpu.memory_space<vmem>> -> memref<128x64xf32, #tpu.memory_space<vmem>>
        %dma_start3A_540 = arith.constant 0 : i32
        %dma_start3A_541 = tpu.memref_slice %arg4[%mul3A_534, %dma_start3A_540] : memref<425984x64xf32, #tpu.memory_space<hbm>> -> memref<128x64xf32, #tpu.memory_space<hbm>>
        %dma_start3A_542 = arith.constant 0 : i32
        %dma_start3A_543 = tpu.memref_slice %arg4[%mul3A_534, %dma_start3A_542] : memref<425984x64xf32, #tpu.memory_space<hbm>> -> memref<128x64xf32, #tpu.memory_space<hbm>>
        %dma_start3A_544 = arith.constant 0 : i32
        %dma_start3A_545 = arith.constant 0 : i32
        %dma_start3A_546 = tpu.memref_slice %arg6[%dma_start3A_535, %dma_start3A_544, %dma_start3A_545] : memref<8x128x64xf32, #tpu.memory_space<vmem>> -> memref<1x128x64xf32, #tpu.memory_space<vmem>>
        %dma_start3A_547 = tpu.memref_squeeze %dma_start3A_546 : memref<1x128x64xf32, #tpu.memory_space<vmem>> -> memref<128x64xf32, #tpu.memory_space<vmem>>
        tpu.enqueue_dma source(%dma_start3A_547 : memref<128x64xf32, #tpu.memory_space<vmem>>) target(%dma_start3A_543 : memref<128x64xf32, #tpu.memory_space<hbm>>) target_semaphore(%arg22 : memref<!tpu.dma_semaphore, #tpu.memory_space<semaphore_mem>>)
      } else {
      }
      %mul3A_177 = arith.constant 8 : i32
      %mul3A_178 = arith.muli %scan3A_154, %mul3A_177 : i32
      %add3A_179 = arith.constant 1 : i32
      %add3A_180 = arith.addi %mul3A_178, %add3A_179 : i32
      %gt3A_181 = arith.constant 0 : i32
      %gt3A_182 = arith.cmpi sgt, %scan3A_154, %gt3A_181 : i32
      %convert_element_type3A_183 = arith.extui %gt3A_182 : i1 to i32
      %cond3A_184 = arith.constant 0 : i32
      %cond3A_185 = arith.cmpi ne, %convert_element_type3A_183, %cond3A_184 : i32
      scf.if %cond3A_185 {
        %dma_wait3A_519 = arith.constant 1 : i32
        %dma_wait3A_520 = arith.constant 0 : i32
        %dma_wait3A_521 = arith.constant 0 : i32
        %dma_wait3A_522 = tpu.memref_slice %arg6[%dma_wait3A_519, %dma_wait3A_520, %dma_wait3A_521] : memref<8x128x64xf32, #tpu.memory_space<vmem>> -> memref<1x128x64xf32, #tpu.memory_space<vmem>>
        %dma_wait3A_523 = tpu.memref_squeeze %dma_wait3A_522 : memref<1x128x64xf32, #tpu.memory_space<vmem>> -> memref<128x64xf32, #tpu.memory_space<vmem>>
        %dma_wait3A_524 = arith.constant 0 : i32
        %dma_wait3A_525 = arith.constant 0 : i32
        %dma_wait3A_526 = tpu.memref_slice %arg4[%dma_wait3A_524, %dma_wait3A_525] : memref<425984x64xf32, #tpu.memory_space<hbm>> -> memref<128x64xf32, #tpu.memory_space<hbm>>
        %dma_wait3A_527 = arith.constant 0 : i32
        %dma_wait3A_528 = arith.constant 0 : i32
        %dma_wait3A_529 = tpu.memref_slice %arg4[%dma_wait3A_527, %dma_wait3A_528] : memref<425984x64xf32, #tpu.memory_space<hbm>> -> memref<128x64xf32, #tpu.memory_space<hbm>>
        %dma_wait3A_530 = arith.constant 0 : i32
        %dma_wait3A_531 = arith.constant 0 : i32
        %dma_wait3A_532 = tpu.memref_slice %arg6[%dma_wait3A_519, %dma_wait3A_530, %dma_wait3A_531] : memref<8x128x64xf32, #tpu.memory_space<vmem>> -> memref<1x128x64xf32, #tpu.memory_space<vmem>>
        %dma_wait3A_533 = tpu.memref_squeeze %dma_wait3A_532 : memref<1x128x64xf32, #tpu.memory_space<vmem>> -> memref<128x64xf32, #tpu.memory_space<vmem>>
        tpu.wait_dma2 semaphore(%arg16 : memref<!tpu.dma_semaphore, #tpu.memory_space<semaphore_mem>>) src(%dma_wait3A_533 : memref<128x64xf32, #tpu.memory_space<vmem>>) dst(%dma_wait3A_529 : memref<128x64xf32, #tpu.memory_space<hbm>>)
      } else {
      }
      %dma_start3A_186 = arith.constant 1 : i32
      %dma_start3A_187 = arith.constant 0 : i32
      %dma_start3A_188 = arith.constant 0 : i32
      %dma_start3A_189 = tpu.memref_slice %arg6[%dma_start3A_186, %dma_start3A_187, %dma_start3A_188] : memref<8x128x64xf32, #tpu.memory_space<vmem>> -> memref<1x128x64xf32, #tpu.memory_space<vmem>>
      %dma_start3A_190 = tpu.memref_squeeze %dma_start3A_189 : memref<1x128x64xf32, #tpu.memory_space<vmem>> -> memref<128x64xf32, #tpu.memory_space<vmem>>
      %dma_start3A_191 = arith.constant 0 : i32
      %dma_start3A_192 = tpu.memref_slice %arg5[%add3A_180, %dma_start3A_191] : memref<104x128xi32, #tpu.memory_space<vmem>> -> memref<1x128xi32, #tpu.memory_space<vmem>>
      %dma_start3A_193 = tpu.memref_squeeze %dma_start3A_192 : memref<1x128xi32, #tpu.memory_space<vmem>> -> memref<128xi32, #tpu.memory_space<vmem>>
      %dma_start3A_194 = arith.constant 0 : i32
      %dma_start3A_195 = arith.constant 0 : i32
      %dma_start3A_196 = tpu.memref_slice %arg3[%dma_start3A_194, %dma_start3A_195] : memref<1000000x64xf32, #tpu.memory_space<hbm>> -> memref<1000000x64xf32, #tpu.memory_space<hbm>>
      tpu.enqueue_indirect_dma source(%dma_start3A_196 : memref<1000000x64xf32, #tpu.memory_space<hbm>>) target(%dma_start3A_190 : memref<128x64xf32, #tpu.memory_space<vmem>>) offsets(%dma_start3A_193 : memref<128xi32, #tpu.memory_space<vmem>>) semaphore(%arg8 : memref<!tpu.dma_semaphore, #tpu.memory_space<semaphore_mem>>)
      %sub3A = arith.constant 1 : i32
      %sub3A_197 = arith.subi %add3A_180, %sub3A : i32
      %dma_wait3A_198 = arith.constant 0 : i32
      %dma_wait3A_199 = arith.constant 0 : i32
      %dma_wait3A_200 = arith.constant 0 : i32
      %dma_wait3A_201 = tpu.memref_slice %arg6[%dma_wait3A_198, %dma_wait3A_199, %dma_wait3A_200] : memref<8x128x64xf32, #tpu.memory_space<vmem>> -> memref<1x128x64xf32, #tpu.memory_space<vmem>>
      %dma_wait3A_202 = tpu.memref_squeeze %dma_wait3A_201 : memref<1x128x64xf32, #tpu.memory_space<vmem>> -> memref<128x64xf32, #tpu.memory_space<vmem>>
      %dma_wait3A_203 = arith.constant 0 : i32
      %dma_wait3A_204 = tpu.memref_slice %arg5[%sub3A_197, %dma_wait3A_203] : memref<104x128xi32, #tpu.memory_space<vmem>> -> memref<1x128xi32, #tpu.memory_space<vmem>>
      %dma_wait3A_205 = tpu.memref_squeeze %dma_wait3A_204 : memref<1x128xi32, #tpu.memory_space<vmem>> -> memref<128xi32, #tpu.memory_space<vmem>>
      %dma_wait3A_206 = arith.constant 0 : i32
      %dma_wait3A_207 = arith.constant 0 : i32
      %dma_wait3A_208 = tpu.memref_slice %arg3[%dma_wait3A_206, %dma_wait3A_207] : memref<1000000x64xf32, #tpu.memory_space<hbm>> -> memref<1000000x64xf32, #tpu.memory_space<hbm>>
      tpu.wait_indirect_dma semaphore(%arg7 : memref<!tpu.dma_semaphore, #tpu.memory_space<semaphore_mem>>) src(%dma_wait3A_208 : memref<1000000x64xf32, #tpu.memory_space<hbm>>) dst(%dma_wait3A_202 : memref<128x64xf32, #tpu.memory_space<vmem>>)
      %add3A_209 = arith.addi %mul3A_2, %sub3A_197 : i32
      %mul3A_210 = arith.constant 128 : i32
      %mul3A_211 = arith.muli %add3A_209, %mul3A_210 : i32
      %dma_start3A_212 = arith.constant 0 : i32
      %dma_start3A_213 = arith.constant 0 : i32
      %dma_start3A_214 = arith.constant 0 : i32
      %dma_start3A_215 = tpu.memref_slice %arg6[%dma_start3A_212, %dma_start3A_213, %dma_start3A_214] : memref<8x128x64xf32, #tpu.memory_space<vmem>> -> memref<1x128x64xf32, #tpu.memory_space<vmem>>
      %dma_start3A_216 = tpu.memref_squeeze %dma_start3A_215 : memref<1x128x64xf32, #tpu.memory_space<vmem>> -> memref<128x64xf32, #tpu.memory_space<vmem>>
      %dma_start3A_217 = arith.constant 0 : i32
      %dma_start3A_218 = tpu.memref_slice %arg4[%mul3A_211, %dma_start3A_217] : memref<425984x64xf32, #tpu.memory_space<hbm>> -> memref<128x64xf32, #tpu.memory_space<hbm>>
      %dma_start3A_219 = arith.constant 0 : i32
      %dma_start3A_220 = tpu.memref_slice %arg4[%mul3A_211, %dma_start3A_219] : memref<425984x64xf32, #tpu.memory_space<hbm>> -> memref<128x64xf32, #tpu.memory_space<hbm>>
      %dma_start3A_221 = arith.constant 0 : i32
      %dma_start3A_222 = arith.constant 0 : i32
      %dma_start3A_223 = tpu.memref_slice %arg6[%dma_start3A_212, %dma_start3A_221, %dma_start3A_222] : memref<8x128x64xf32, #tpu.memory_space<vmem>> -> memref<1x128x64xf32, #tpu.memory_space<vmem>>
      %dma_start3A_224 = tpu.memref_squeeze %dma_start3A_223 : memref<1x128x64xf32, #tpu.memory_space<vmem>> -> memref<128x64xf32, #tpu.memory_space<vmem>>
      tpu.enqueue_dma source(%dma_start3A_224 : memref<128x64xf32, #tpu.memory_space<vmem>>) target(%dma_start3A_220 : memref<128x64xf32, #tpu.memory_space<hbm>>) target_semaphore(%arg15 : memref<!tpu.dma_semaphore, #tpu.memory_space<semaphore_mem>>)
      %mul3A_225 = arith.constant 8 : i32
      %mul3A_226 = arith.muli %scan3A_154, %mul3A_225 : i32
      %add3A_227 = arith.constant 2 : i32
      %add3A_228 = arith.addi %mul3A_226, %add3A_227 : i32
      %gt3A_229 = arith.constant 0 : i32
      %gt3A_230 = arith.cmpi sgt, %scan3A_154, %gt3A_229 : i32
      %convert_element_type3A_231 = arith.extui %gt3A_230 : i1 to i32
      %cond3A_232 = arith.constant 0 : i32
      %cond3A_233 = arith.cmpi ne, %convert_element_type3A_231, %cond3A_232 : i32
      scf.if %cond3A_233 {
        %dma_wait3A_519 = arith.constant 2 : i32
        %dma_wait3A_520 = arith.constant 0 : i32
        %dma_wait3A_521 = arith.constant 0 : i32
        %dma_wait3A_522 = tpu.memref_slice %arg6[%dma_wait3A_519, %dma_wait3A_520, %dma_wait3A_521] : memref<8x128x64xf32, #tpu.memory_space<vmem>> -> memref<1x128x64xf32, #tpu.memory_space<vmem>>
        %dma_wait3A_523 = tpu.memref_squeeze %dma_wait3A_522 : memref<1x128x64xf32, #tpu.memory_space<vmem>> -> memref<128x64xf32, #tpu.memory_space<vmem>>
        %dma_wait3A_524 = arith.constant 0 : i32
        %dma_wait3A_525 = arith.constant 0 : i32
        %dma_wait3A_526 = tpu.memref_slice %arg4[%dma_wait3A_524, %dma_wait3A_525] : memref<425984x64xf32, #tpu.memory_space<hbm>> -> memref<128x64xf32, #tpu.memory_space<hbm>>
        %dma_wait3A_527 = arith.constant 0 : i32
        %dma_wait3A_528 = arith.constant 0 : i32
        %dma_wait3A_529 = tpu.memref_slice %arg4[%dma_wait3A_527, %dma_wait3A_528] : memref<425984x64xf32, #tpu.memory_space<hbm>> -> memref<128x64xf32, #tpu.memory_space<hbm>>
        %dma_wait3A_530 = arith.constant 0 : i32
        %dma_wait3A_531 = arith.constant 0 : i32
        %dma_wait3A_532 = tpu.memref_slice %arg6[%dma_wait3A_519, %dma_wait3A_530, %dma_wait3A_531] : memref<8x128x64xf32, #tpu.memory_space<vmem>> -> memref<1x128x64xf32, #tpu.memory_space<vmem>>
        %dma_wait3A_533 = tpu.memref_squeeze %dma_wait3A_532 : memref<1x128x64xf32, #tpu.memory_space<vmem>> -> memref<128x64xf32, #tpu.memory_space<vmem>>
        tpu.wait_dma2 semaphore(%arg17 : memref<!tpu.dma_semaphore, #tpu.memory_space<semaphore_mem>>) src(%dma_wait3A_533 : memref<128x64xf32, #tpu.memory_space<vmem>>) dst(%dma_wait3A_529 : memref<128x64xf32, #tpu.memory_space<hbm>>)
      } else {
      }
      %dma_start3A_234 = arith.constant 2 : i32
      %dma_start3A_235 = arith.constant 0 : i32
      %dma_start3A_236 = arith.constant 0 : i32
      %dma_start3A_237 = tpu.memref_slice %arg6[%dma_start3A_234, %dma_start3A_235, %dma_start3A_236] : memref<8x128x64xf32, #tpu.memory_space<vmem>> -> memref<1x128x64xf32, #tpu.memory_space<vmem>>
      %dma_start3A_238 = tpu.memref_squeeze %dma_start3A_237 : memref<1x128x64xf32, #tpu.memory_space<vmem>> -> memref<128x64xf32, #tpu.memory_space<vmem>>
      %dma_start3A_239 = arith.constant 0 : i32
      %dma_start3A_240 = tpu.memref_slice %arg5[%add3A_228, %dma_start3A_239] : memref<104x128xi32, #tpu.memory_space<vmem>> -> memref<1x128xi32, #tpu.memory_space<vmem>>
      %dma_start3A_241 = tpu.memref_squeeze %dma_start3A_240 : memref<1x128xi32, #tpu.memory_space<vmem>> -> memref<128xi32, #tpu.memory_space<vmem>>
      %dma_start3A_242 = arith.constant 0 : i32
      %dma_start3A_243 = arith.constant 0 : i32
      %dma_start3A_244 = tpu.memref_slice %arg3[%dma_start3A_242, %dma_start3A_243] : memref<1000000x64xf32, #tpu.memory_space<hbm>> -> memref<1000000x64xf32, #tpu.memory_space<hbm>>
      tpu.enqueue_indirect_dma source(%dma_start3A_244 : memref<1000000x64xf32, #tpu.memory_space<hbm>>) target(%dma_start3A_238 : memref<128x64xf32, #tpu.memory_space<vmem>>) offsets(%dma_start3A_241 : memref<128xi32, #tpu.memory_space<vmem>>) semaphore(%arg9 : memref<!tpu.dma_semaphore, #tpu.memory_space<semaphore_mem>>)
      %sub3A_245 = arith.constant 1 : i32
      %sub3A_246 = arith.subi %add3A_228, %sub3A_245 : i32
      %dma_wait3A_247 = arith.constant 1 : i32
      %dma_wait3A_248 = arith.constant 0 : i32
      %dma_wait3A_249 = arith.constant 0 : i32
      %dma_wait3A_250 = tpu.memref_slice %arg6[%dma_wait3A_247, %dma_wait3A_248, %dma_wait3A_249] : memref<8x128x64xf32, #tpu.memory_space<vmem>> -> memref<1x128x64xf32, #tpu.memory_space<vmem>>
      %dma_wait3A_251 = tpu.memref_squeeze %dma_wait3A_250 : memref<1x128x64xf32, #tpu.memory_space<vmem>> -> memref<128x64xf32, #tpu.memory_space<vmem>>
      %dma_wait3A_252 = arith.constant 0 : i32
      %dma_wait3A_253 = tpu.memref_slice %arg5[%sub3A_246, %dma_wait3A_252] : memref<104x128xi32, #tpu.memory_space<vmem>> -> memref<1x128xi32, #tpu.memory_space<vmem>>
      %dma_wait3A_254 = tpu.memref_squeeze %dma_wait3A_253 : memref<1x128xi32, #tpu.memory_space<vmem>> -> memref<128xi32, #tpu.memory_space<vmem>>
      %dma_wait3A_255 = arith.constant 0 : i32
      %dma_wait3A_256 = arith.constant 0 : i32
      %dma_wait3A_257 = tpu.memref_slice %arg3[%dma_wait3A_255, %dma_wait3A_256] : memref<1000000x64xf32, #tpu.memory_space<hbm>> -> memref<1000000x64xf32, #tpu.memory_space<hbm>>
      tpu.wait_indirect_dma semaphore(%arg8 : memref<!tpu.dma_semaphore, #tpu.memory_space<semaphore_mem>>) src(%dma_wait3A_257 : memref<1000000x64xf32, #tpu.memory_space<hbm>>) dst(%dma_wait3A_251 : memref<128x64xf32, #tpu.memory_space<vmem>>)
      %add3A_258 = arith.addi %mul3A_2, %sub3A_246 : i32
      %mul3A_259 = arith.constant 128 : i32
      %mul3A_260 = arith.muli %add3A_258, %mul3A_259 : i32
      %dma_start3A_261 = arith.constant 1 : i32
      %dma_start3A_262 = arith.constant 0 : i32
      %dma_start3A_263 = arith.constant 0 : i32
      %dma_start3A_264 = tpu.memref_slice %arg6[%dma_start3A_261, %dma_start3A_262, %dma_start3A_263] : memref<8x128x64xf32, #tpu.memory_space<vmem>> -> memref<1x128x64xf32, #tpu.memory_space<vmem>>
      %dma_start3A_265 = tpu.memref_squeeze %dma_start3A_264 : memref<1x128x64xf32, #tpu.memory_space<vmem>> -> memref<128x64xf32, #tpu.memory_space<vmem>>
      %dma_start3A_266 = arith.constant 0 : i32
      %dma_start3A_267 = tpu.memref_slice %arg4[%mul3A_260, %dma_start3A_266] : memref<425984x64xf32, #tpu.memory_space<hbm>> -> memref<128x64xf32, #tpu.memory_space<hbm>>
      %dma_start3A_268 = arith.constant 0 : i32
      %dma_start3A_269 = tpu.memref_slice %arg4[%mul3A_260, %dma_start3A_268] : memref<425984x64xf32, #tpu.memory_space<hbm>> -> memref<128x64xf32, #tpu.memory_space<hbm>>
      %dma_start3A_270 = arith.constant 0 : i32
      %dma_start3A_271 = arith.constant 0 : i32
      %dma_start3A_272 = tpu.memref_slice %arg6[%dma_start3A_261, %dma_start3A_270, %dma_start3A_271] : memref<8x128x64xf32, #tpu.memory_space<vmem>> -> memref<1x128x64xf32, #tpu.memory_space<vmem>>
      %dma_start3A_273 = tpu.memref_squeeze %dma_start3A_272 : memref<1x128x64xf32, #tpu.memory_space<vmem>> -> memref<128x64xf32, #tpu.memory_space<vmem>>
      tpu.enqueue_dma source(%dma_start3A_273 : memref<128x64xf32, #tpu.memory_space<vmem>>) target(%dma_start3A_269 : memref<128x64xf32, #tpu.memory_space<hbm>>) target_semaphore(%arg16 : memref<!tpu.dma_semaphore, #tpu.memory_space<semaphore_mem>>)
      %mul3A_274 = arith.constant 8 : i32
      %mul3A_275 = arith.muli %scan3A_154, %mul3A_274 : i32
      %add3A_276 = arith.constant 3 : i32
      %add3A_277 = arith.addi %mul3A_275, %add3A_276 : i32
      %gt3A_278 = arith.constant 0 : i32
      %gt3A_279 = arith.cmpi sgt, %scan3A_154, %gt3A_278 : i32
      %convert_element_type3A_280 = arith.extui %gt3A_279 : i1 to i32
      %cond3A_281 = arith.constant 0 : i32
      %cond3A_282 = arith.cmpi ne, %convert_element_type3A_280, %cond3A_281 : i32
      scf.if %cond3A_282 {
        %dma_wait3A_519 = arith.constant 3 : i32
        %dma_wait3A_520 = arith.constant 0 : i32
        %dma_wait3A_521 = arith.constant 0 : i32
        %dma_wait3A_522 = tpu.memref_slice %arg6[%dma_wait3A_519, %dma_wait3A_520, %dma_wait3A_521] : memref<8x128x64xf32, #tpu.memory_space<vmem>> -> memref<1x128x64xf32, #tpu.memory_space<vmem>>
        %dma_wait3A_523 = tpu.memref_squeeze %dma_wait3A_522 : memref<1x128x64xf32, #tpu.memory_space<vmem>> -> memref<128x64xf32, #tpu.memory_space<vmem>>
        %dma_wait3A_524 = arith.constant 0 : i32
        %dma_wait3A_525 = arith.constant 0 : i32
        %dma_wait3A_526 = tpu.memref_slice %arg4[%dma_wait3A_524, %dma_wait3A_525] : memref<425984x64xf32, #tpu.memory_space<hbm>> -> memref<128x64xf32, #tpu.memory_space<hbm>>
        %dma_wait3A_527 = arith.constant 0 : i32
        %dma_wait3A_528 = arith.constant 0 : i32
        %dma_wait3A_529 = tpu.memref_slice %arg4[%dma_wait3A_527, %dma_wait3A_528] : memref<425984x64xf32, #tpu.memory_space<hbm>> -> memref<128x64xf32, #tpu.memory_space<hbm>>
        %dma_wait3A_530 = arith.constant 0 : i32
        %dma_wait3A_531 = arith.constant 0 : i32
        %dma_wait3A_532 = tpu.memref_slice %arg6[%dma_wait3A_519, %dma_wait3A_530, %dma_wait3A_531] : memref<8x128x64xf32, #tpu.memory_space<vmem>> -> memref<1x128x64xf32, #tpu.memory_space<vmem>>
        %dma_wait3A_533 = tpu.memref_squeeze %dma_wait3A_532 : memref<1x128x64xf32, #tpu.memory_space<vmem>> -> memref<128x64xf32, #tpu.memory_space<vmem>>
        tpu.wait_dma2 semaphore(%arg18 : memref<!tpu.dma_semaphore, #tpu.memory_space<semaphore_mem>>) src(%dma_wait3A_533 : memref<128x64xf32, #tpu.memory_space<vmem>>) dst(%dma_wait3A_529 : memref<128x64xf32, #tpu.memory_space<hbm>>)
      } else {
      }
      %dma_start3A_283 = arith.constant 3 : i32
      %dma_start3A_284 = arith.constant 0 : i32
      %dma_start3A_285 = arith.constant 0 : i32
      %dma_start3A_286 = tpu.memref_slice %arg6[%dma_start3A_283, %dma_start3A_284, %dma_start3A_285] : memref<8x128x64xf32, #tpu.memory_space<vmem>> -> memref<1x128x64xf32, #tpu.memory_space<vmem>>
      %dma_start3A_287 = tpu.memref_squeeze %dma_start3A_286 : memref<1x128x64xf32, #tpu.memory_space<vmem>> -> memref<128x64xf32, #tpu.memory_space<vmem>>
      %dma_start3A_288 = arith.constant 0 : i32
      %dma_start3A_289 = tpu.memref_slice %arg5[%add3A_277, %dma_start3A_288] : memref<104x128xi32, #tpu.memory_space<vmem>> -> memref<1x128xi32, #tpu.memory_space<vmem>>
      %dma_start3A_290 = tpu.memref_squeeze %dma_start3A_289 : memref<1x128xi32, #tpu.memory_space<vmem>> -> memref<128xi32, #tpu.memory_space<vmem>>
      %dma_start3A_291 = arith.constant 0 : i32
      %dma_start3A_292 = arith.constant 0 : i32
      %dma_start3A_293 = tpu.memref_slice %arg3[%dma_start3A_291, %dma_start3A_292] : memref<1000000x64xf32, #tpu.memory_space<hbm>> -> memref<1000000x64xf32, #tpu.memory_space<hbm>>
      tpu.enqueue_indirect_dma source(%dma_start3A_293 : memref<1000000x64xf32, #tpu.memory_space<hbm>>) target(%dma_start3A_287 : memref<128x64xf32, #tpu.memory_space<vmem>>) offsets(%dma_start3A_290 : memref<128xi32, #tpu.memory_space<vmem>>) semaphore(%arg10 : memref<!tpu.dma_semaphore, #tpu.memory_space<semaphore_mem>>)
      %sub3A_294 = arith.constant 1 : i32
      %sub3A_295 = arith.subi %add3A_277, %sub3A_294 : i32
      %dma_wait3A_296 = arith.constant 2 : i32
      %dma_wait3A_297 = arith.constant 0 : i32
      %dma_wait3A_298 = arith.constant 0 : i32
      %dma_wait3A_299 = tpu.memref_slice %arg6[%dma_wait3A_296, %dma_wait3A_297, %dma_wait3A_298] : memref<8x128x64xf32, #tpu.memory_space<vmem>> -> memref<1x128x64xf32, #tpu.memory_space<vmem>>
      %dma_wait3A_300 = tpu.memref_squeeze %dma_wait3A_299 : memref<1x128x64xf32, #tpu.memory_space<vmem>> -> memref<128x64xf32, #tpu.memory_space<vmem>>
      %dma_wait3A_301 = arith.constant 0 : i32
      %dma_wait3A_302 = tpu.memref_slice %arg5[%sub3A_295, %dma_wait3A_301] : memref<104x128xi32, #tpu.memory_space<vmem>> -> memref<1x128xi32, #tpu.memory_space<vmem>>
      %dma_wait3A_303 = tpu.memref_squeeze %dma_wait3A_302 : memref<1x128xi32, #tpu.memory_space<vmem>> -> memref<128xi32, #tpu.memory_space<vmem>>
      %dma_wait3A_304 = arith.constant 0 : i32
      %dma_wait3A_305 = arith.constant 0 : i32
      %dma_wait3A_306 = tpu.memref_slice %arg3[%dma_wait3A_304, %dma_wait3A_305] : memref<1000000x64xf32, #tpu.memory_space<hbm>> -> memref<1000000x64xf32, #tpu.memory_space<hbm>>
      tpu.wait_indirect_dma semaphore(%arg9 : memref<!tpu.dma_semaphore, #tpu.memory_space<semaphore_mem>>) src(%dma_wait3A_306 : memref<1000000x64xf32, #tpu.memory_space<hbm>>) dst(%dma_wait3A_300 : memref<128x64xf32, #tpu.memory_space<vmem>>)
      %add3A_307 = arith.addi %mul3A_2, %sub3A_295 : i32
      %mul3A_308 = arith.constant 128 : i32
      %mul3A_309 = arith.muli %add3A_307, %mul3A_308 : i32
      %dma_start3A_310 = arith.constant 2 : i32
      %dma_start3A_311 = arith.constant 0 : i32
      %dma_start3A_312 = arith.constant 0 : i32
      %dma_start3A_313 = tpu.memref_slice %arg6[%dma_start3A_310, %dma_start3A_311, %dma_start3A_312] : memref<8x128x64xf32, #tpu.memory_space<vmem>> -> memref<1x128x64xf32, #tpu.memory_space<vmem>>
      %dma_start3A_314 = tpu.memref_squeeze %dma_start3A_313 : memref<1x128x64xf32, #tpu.memory_space<vmem>> -> memref<128x64xf32, #tpu.memory_space<vmem>>
      %dma_start3A_315 = arith.constant 0 : i32
      %dma_start3A_316 = tpu.memref_slice %arg4[%mul3A_309, %dma_start3A_315] : memref<425984x64xf32, #tpu.memory_space<hbm>> -> memref<128x64xf32, #tpu.memory_space<hbm>>
      %dma_start3A_317 = arith.constant 0 : i32
      %dma_start3A_318 = tpu.memref_slice %arg4[%mul3A_309, %dma_start3A_317] : memref<425984x64xf32, #tpu.memory_space<hbm>> -> memref<128x64xf32, #tpu.memory_space<hbm>>
      %dma_start3A_319 = arith.constant 0 : i32
      %dma_start3A_320 = arith.constant 0 : i32
      %dma_start3A_321 = tpu.memref_slice %arg6[%dma_start3A_310, %dma_start3A_319, %dma_start3A_320] : memref<8x128x64xf32, #tpu.memory_space<vmem>> -> memref<1x128x64xf32, #tpu.memory_space<vmem>>
      %dma_start3A_322 = tpu.memref_squeeze %dma_start3A_321 : memref<1x128x64xf32, #tpu.memory_space<vmem>> -> memref<128x64xf32, #tpu.memory_space<vmem>>
      tpu.enqueue_dma source(%dma_start3A_322 : memref<128x64xf32, #tpu.memory_space<vmem>>) target(%dma_start3A_318 : memref<128x64xf32, #tpu.memory_space<hbm>>) target_semaphore(%arg17 : memref<!tpu.dma_semaphore, #tpu.memory_space<semaphore_mem>>)
      %mul3A_323 = arith.constant 8 : i32
      %mul3A_324 = arith.muli %scan3A_154, %mul3A_323 : i32
      %add3A_325 = arith.constant 4 : i32
      %add3A_326 = arith.addi %mul3A_324, %add3A_325 : i32
      %gt3A_327 = arith.constant 0 : i32
      %gt3A_328 = arith.cmpi sgt, %scan3A_154, %gt3A_327 : i32
      %convert_element_type3A_329 = arith.extui %gt3A_328 : i1 to i32
      %cond3A_330 = arith.constant 0 : i32
      %cond3A_331 = arith.cmpi ne, %convert_element_type3A_329, %cond3A_330 : i32
      scf.if %cond3A_331 {
        %dma_wait3A_519 = arith.constant 4 : i32
        %dma_wait3A_520 = arith.constant 0 : i32
        %dma_wait3A_521 = arith.constant 0 : i32
        %dma_wait3A_522 = tpu.memref_slice %arg6[%dma_wait3A_519, %dma_wait3A_520, %dma_wait3A_521] : memref<8x128x64xf32, #tpu.memory_space<vmem>> -> memref<1x128x64xf32, #tpu.memory_space<vmem>>
        %dma_wait3A_523 = tpu.memref_squeeze %dma_wait3A_522 : memref<1x128x64xf32, #tpu.memory_space<vmem>> -> memref<128x64xf32, #tpu.memory_space<vmem>>
        %dma_wait3A_524 = arith.constant 0 : i32
        %dma_wait3A_525 = arith.constant 0 : i32
        %dma_wait3A_526 = tpu.memref_slice %arg4[%dma_wait3A_524, %dma_wait3A_525] : memref<425984x64xf32, #tpu.memory_space<hbm>> -> memref<128x64xf32, #tpu.memory_space<hbm>>
        %dma_wait3A_527 = arith.constant 0 : i32
        %dma_wait3A_528 = arith.constant 0 : i32
        %dma_wait3A_529 = tpu.memref_slice %arg4[%dma_wait3A_527, %dma_wait3A_528] : memref<425984x64xf32, #tpu.memory_space<hbm>> -> memref<128x64xf32, #tpu.memory_space<hbm>>
        %dma_wait3A_530 = arith.constant 0 : i32
        %dma_wait3A_531 = arith.constant 0 : i32
        %dma_wait3A_532 = tpu.memref_slice %arg6[%dma_wait3A_519, %dma_wait3A_530, %dma_wait3A_531] : memref<8x128x64xf32, #tpu.memory_space<vmem>> -> memref<1x128x64xf32, #tpu.memory_space<vmem>>
        %dma_wait3A_533 = tpu.memref_squeeze %dma_wait3A_532 : memref<1x128x64xf32, #tpu.memory_space<vmem>> -> memref<128x64xf32, #tpu.memory_space<vmem>>
        tpu.wait_dma2 semaphore(%arg19 : memref<!tpu.dma_semaphore, #tpu.memory_space<semaphore_mem>>) src(%dma_wait3A_533 : memref<128x64xf32, #tpu.memory_space<vmem>>) dst(%dma_wait3A_529 : memref<128x64xf32, #tpu.memory_space<hbm>>)
      } else {
      }
      %dma_start3A_332 = arith.constant 4 : i32
      %dma_start3A_333 = arith.constant 0 : i32
      %dma_start3A_334 = arith.constant 0 : i32
      %dma_start3A_335 = tpu.memref_slice %arg6[%dma_start3A_332, %dma_start3A_333, %dma_start3A_334] : memref<8x128x64xf32, #tpu.memory_space<vmem>> -> memref<1x128x64xf32, #tpu.memory_space<vmem>>
      %dma_start3A_336 = tpu.memref_squeeze %dma_start3A_335 : memref<1x128x64xf32, #tpu.memory_space<vmem>> -> memref<128x64xf32, #tpu.memory_space<vmem>>
      %dma_start3A_337 = arith.constant 0 : i32
      %dma_start3A_338 = tpu.memref_slice %arg5[%add3A_326, %dma_start3A_337] : memref<104x128xi32, #tpu.memory_space<vmem>> -> memref<1x128xi32, #tpu.memory_space<vmem>>
      %dma_start3A_339 = tpu.memref_squeeze %dma_start3A_338 : memref<1x128xi32, #tpu.memory_space<vmem>> -> memref<128xi32, #tpu.memory_space<vmem>>
      %dma_start3A_340 = arith.constant 0 : i32
      %dma_start3A_341 = arith.constant 0 : i32
      %dma_start3A_342 = tpu.memref_slice %arg3[%dma_start3A_340, %dma_start3A_341] : memref<1000000x64xf32, #tpu.memory_space<hbm>> -> memref<1000000x64xf32, #tpu.memory_space<hbm>>
      tpu.enqueue_indirect_dma source(%dma_start3A_342 : memref<1000000x64xf32, #tpu.memory_space<hbm>>) target(%dma_start3A_336 : memref<128x64xf32, #tpu.memory_space<vmem>>) offsets(%dma_start3A_339 : memref<128xi32, #tpu.memory_space<vmem>>) semaphore(%arg11 : memref<!tpu.dma_semaphore, #tpu.memory_space<semaphore_mem>>)
      %sub3A_343 = arith.constant 1 : i32
      %sub3A_344 = arith.subi %add3A_326, %sub3A_343 : i32
      %dma_wait3A_345 = arith.constant 3 : i32
      %dma_wait3A_346 = arith.constant 0 : i32
      %dma_wait3A_347 = arith.constant 0 : i32
      %dma_wait3A_348 = tpu.memref_slice %arg6[%dma_wait3A_345, %dma_wait3A_346, %dma_wait3A_347] : memref<8x128x64xf32, #tpu.memory_space<vmem>> -> memref<1x128x64xf32, #tpu.memory_space<vmem>>
      %dma_wait3A_349 = tpu.memref_squeeze %dma_wait3A_348 : memref<1x128x64xf32, #tpu.memory_space<vmem>> -> memref<128x64xf32, #tpu.memory_space<vmem>>
      %dma_wait3A_350 = arith.constant 0 : i32
      %dma_wait3A_351 = tpu.memref_slice %arg5[%sub3A_344, %dma_wait3A_350] : memref<104x128xi32, #tpu.memory_space<vmem>> -> memref<1x128xi32, #tpu.memory_space<vmem>>
      %dma_wait3A_352 = tpu.memref_squeeze %dma_wait3A_351 : memref<1x128xi32, #tpu.memory_space<vmem>> -> memref<128xi32, #tpu.memory_space<vmem>>
      %dma_wait3A_353 = arith.constant 0 : i32
      %dma_wait3A_354 = arith.constant 0 : i32
      %dma_wait3A_355 = tpu.memref_slice %arg3[%dma_wait3A_353, %dma_wait3A_354] : memref<1000000x64xf32, #tpu.memory_space<hbm>> -> memref<1000000x64xf32, #tpu.memory_space<hbm>>
      tpu.wait_indirect_dma semaphore(%arg10 : memref<!tpu.dma_semaphore, #tpu.memory_space<semaphore_mem>>) src(%dma_wait3A_355 : memref<1000000x64xf32, #tpu.memory_space<hbm>>) dst(%dma_wait3A_349 : memref<128x64xf32, #tpu.memory_space<vmem>>)
      %add3A_356 = arith.addi %mul3A_2, %sub3A_344 : i32
      %mul3A_357 = arith.constant 128 : i32
      %mul3A_358 = arith.muli %add3A_356, %mul3A_357 : i32
      %dma_start3A_359 = arith.constant 3 : i32
      %dma_start3A_360 = arith.constant 0 : i32
      %dma_start3A_361 = arith.constant 0 : i32
      %dma_start3A_362 = tpu.memref_slice %arg6[%dma_start3A_359, %dma_start3A_360, %dma_start3A_361] : memref<8x128x64xf32, #tpu.memory_space<vmem>> -> memref<1x128x64xf32, #tpu.memory_space<vmem>>
      %dma_start3A_363 = tpu.memref_squeeze %dma_start3A_362 : memref<1x128x64xf32, #tpu.memory_space<vmem>> -> memref<128x64xf32, #tpu.memory_space<vmem>>
      %dma_start3A_364 = arith.constant 0 : i32
      %dma_start3A_365 = tpu.memref_slice %arg4[%mul3A_358, %dma_start3A_364] : memref<425984x64xf32, #tpu.memory_space<hbm>> -> memref<128x64xf32, #tpu.memory_space<hbm>>
      %dma_start3A_366 = arith.constant 0 : i32
      %dma_start3A_367 = tpu.memref_slice %arg4[%mul3A_358, %dma_start3A_366] : memref<425984x64xf32, #tpu.memory_space<hbm>> -> memref<128x64xf32, #tpu.memory_space<hbm>>
      %dma_start3A_368 = arith.constant 0 : i32
      %dma_start3A_369 = arith.constant 0 : i32
      %dma_start3A_370 = tpu.memref_slice %arg6[%dma_start3A_359, %dma_start3A_368, %dma_start3A_369] : memref<8x128x64xf32, #tpu.memory_space<vmem>> -> memref<1x128x64xf32, #tpu.memory_space<vmem>>
      %dma_start3A_371 = tpu.memref_squeeze %dma_start3A_370 : memref<1x128x64xf32, #tpu.memory_space<vmem>> -> memref<128x64xf32, #tpu.memory_space<vmem>>
      tpu.enqueue_dma source(%dma_start3A_371 : memref<128x64xf32, #tpu.memory_space<vmem>>) target(%dma_start3A_367 : memref<128x64xf32, #tpu.memory_space<hbm>>) target_semaphore(%arg18 : memref<!tpu.dma_semaphore, #tpu.memory_space<semaphore_mem>>)
      %mul3A_372 = arith.constant 8 : i32
      %mul3A_373 = arith.muli %scan3A_154, %mul3A_372 : i32
      %add3A_374 = arith.constant 5 : i32
      %add3A_375 = arith.addi %mul3A_373, %add3A_374 : i32
      %gt3A_376 = arith.constant 0 : i32
      %gt3A_377 = arith.cmpi sgt, %scan3A_154, %gt3A_376 : i32
      %convert_element_type3A_378 = arith.extui %gt3A_377 : i1 to i32
      %cond3A_379 = arith.constant 0 : i32
      %cond3A_380 = arith.cmpi ne, %convert_element_type3A_378, %cond3A_379 : i32
      scf.if %cond3A_380 {
        %dma_wait3A_519 = arith.constant 5 : i32
        %dma_wait3A_520 = arith.constant 0 : i32
        %dma_wait3A_521 = arith.constant 0 : i32
        %dma_wait3A_522 = tpu.memref_slice %arg6[%dma_wait3A_519, %dma_wait3A_520, %dma_wait3A_521] : memref<8x128x64xf32, #tpu.memory_space<vmem>> -> memref<1x128x64xf32, #tpu.memory_space<vmem>>
        %dma_wait3A_523 = tpu.memref_squeeze %dma_wait3A_522 : memref<1x128x64xf32, #tpu.memory_space<vmem>> -> memref<128x64xf32, #tpu.memory_space<vmem>>
        %dma_wait3A_524 = arith.constant 0 : i32
        %dma_wait3A_525 = arith.constant 0 : i32
        %dma_wait3A_526 = tpu.memref_slice %arg4[%dma_wait3A_524, %dma_wait3A_525] : memref<425984x64xf32, #tpu.memory_space<hbm>> -> memref<128x64xf32, #tpu.memory_space<hbm>>
        %dma_wait3A_527 = arith.constant 0 : i32
        %dma_wait3A_528 = arith.constant 0 : i32
        %dma_wait3A_529 = tpu.memref_slice %arg4[%dma_wait3A_527, %dma_wait3A_528] : memref<425984x64xf32, #tpu.memory_space<hbm>> -> memref<128x64xf32, #tpu.memory_space<hbm>>
        %dma_wait3A_530 = arith.constant 0 : i32
        %dma_wait3A_531 = arith.constant 0 : i32
        %dma_wait3A_532 = tpu.memref_slice %arg6[%dma_wait3A_519, %dma_wait3A_530, %dma_wait3A_531] : memref<8x128x64xf32, #tpu.memory_space<vmem>> -> memref<1x128x64xf32, #tpu.memory_space<vmem>>
        %dma_wait3A_533 = tpu.memref_squeeze %dma_wait3A_532 : memref<1x128x64xf32, #tpu.memory_space<vmem>> -> memref<128x64xf32, #tpu.memory_space<vmem>>
        tpu.wait_dma2 semaphore(%arg20 : memref<!tpu.dma_semaphore, #tpu.memory_space<semaphore_mem>>) src(%dma_wait3A_533 : memref<128x64xf32, #tpu.memory_space<vmem>>) dst(%dma_wait3A_529 : memref<128x64xf32, #tpu.memory_space<hbm>>)
      } else {
      }
      %dma_start3A_381 = arith.constant 5 : i32
      %dma_start3A_382 = arith.constant 0 : i32
      %dma_start3A_383 = arith.constant 0 : i32
      %dma_start3A_384 = tpu.memref_slice %arg6[%dma_start3A_381, %dma_start3A_382, %dma_start3A_383] : memref<8x128x64xf32, #tpu.memory_space<vmem>> -> memref<1x128x64xf32, #tpu.memory_space<vmem>>
      %dma_start3A_385 = tpu.memref_squeeze %dma_start3A_384 : memref<1x128x64xf32, #tpu.memory_space<vmem>> -> memref<128x64xf32, #tpu.memory_space<vmem>>
      %dma_start3A_386 = arith.constant 0 : i32
      %dma_start3A_387 = tpu.memref_slice %arg5[%add3A_375, %dma_start3A_386] : memref<104x128xi32, #tpu.memory_space<vmem>> -> memref<1x128xi32, #tpu.memory_space<vmem>>
      %dma_start3A_388 = tpu.memref_squeeze %dma_start3A_387 : memref<1x128xi32, #tpu.memory_space<vmem>> -> memref<128xi32, #tpu.memory_space<vmem>>
      %dma_start3A_389 = arith.constant 0 : i32
      %dma_start3A_390 = arith.constant 0 : i32
      %dma_start3A_391 = tpu.memref_slice %arg3[%dma_start3A_389, %dma_start3A_390] : memref<1000000x64xf32, #tpu.memory_space<hbm>> -> memref<1000000x64xf32, #tpu.memory_space<hbm>>
      tpu.enqueue_indirect_dma source(%dma_start3A_391 : memref<1000000x64xf32, #tpu.memory_space<hbm>>) target(%dma_start3A_385 : memref<128x64xf32, #tpu.memory_space<vmem>>) offsets(%dma_start3A_388 : memref<128xi32, #tpu.memory_space<vmem>>) semaphore(%arg12 : memref<!tpu.dma_semaphore, #tpu.memory_space<semaphore_mem>>)
      %sub3A_392 = arith.constant 1 : i32
      %sub3A_393 = arith.subi %add3A_375, %sub3A_392 : i32
      %dma_wait3A_394 = arith.constant 4 : i32
      %dma_wait3A_395 = arith.constant 0 : i32
      %dma_wait3A_396 = arith.constant 0 : i32
      %dma_wait3A_397 = tpu.memref_slice %arg6[%dma_wait3A_394, %dma_wait3A_395, %dma_wait3A_396] : memref<8x128x64xf32, #tpu.memory_space<vmem>> -> memref<1x128x64xf32, #tpu.memory_space<vmem>>
      %dma_wait3A_398 = tpu.memref_squeeze %dma_wait3A_397 : memref<1x128x64xf32, #tpu.memory_space<vmem>> -> memref<128x64xf32, #tpu.memory_space<vmem>>
      %dma_wait3A_399 = arith.constant 0 : i32
      %dma_wait3A_400 = tpu.memref_slice %arg5[%sub3A_393, %dma_wait3A_399] : memref<104x128xi32, #tpu.memory_space<vmem>> -> memref<1x128xi32, #tpu.memory_space<vmem>>
      %dma_wait3A_401 = tpu.memref_squeeze %dma_wait3A_400 : memref<1x128xi32, #tpu.memory_space<vmem>> -> memref<128xi32, #tpu.memory_space<vmem>>
      %dma_wait3A_402 = arith.constant 0 : i32
      %dma_wait3A_403 = arith.constant 0 : i32
      %dma_wait3A_404 = tpu.memref_slice %arg3[%dma_wait3A_402, %dma_wait3A_403] : memref<1000000x64xf32, #tpu.memory_space<hbm>> -> memref<1000000x64xf32, #tpu.memory_space<hbm>>
      tpu.wait_indirect_dma semaphore(%arg11 : memref<!tpu.dma_semaphore, #tpu.memory_space<semaphore_mem>>) src(%dma_wait3A_404 : memref<1000000x64xf32, #tpu.memory_space<hbm>>) dst(%dma_wait3A_398 : memref<128x64xf32, #tpu.memory_space<vmem>>)
      %add3A_405 = arith.addi %mul3A_2, %sub3A_393 : i32
      %mul3A_406 = arith.constant 128 : i32
      %mul3A_407 = arith.muli %add3A_405, %mul3A_406 : i32
      %dma_start3A_408 = arith.constant 4 : i32
      %dma_start3A_409 = arith.constant 0 : i32
      %dma_start3A_410 = arith.constant 0 : i32
      %dma_start3A_411 = tpu.memref_slice %arg6[%dma_start3A_408, %dma_start3A_409, %dma_start3A_410] : memref<8x128x64xf32, #tpu.memory_space<vmem>> -> memref<1x128x64xf32, #tpu.memory_space<vmem>>
      %dma_start3A_412 = tpu.memref_squeeze %dma_start3A_411 : memref<1x128x64xf32, #tpu.memory_space<vmem>> -> memref<128x64xf32, #tpu.memory_space<vmem>>
      %dma_start3A_413 = arith.constant 0 : i32
      %dma_start3A_414 = tpu.memref_slice %arg4[%mul3A_407, %dma_start3A_413] : memref<425984x64xf32, #tpu.memory_space<hbm>> -> memref<128x64xf32, #tpu.memory_space<hbm>>
      %dma_start3A_415 = arith.constant 0 : i32
      %dma_start3A_416 = tpu.memref_slice %arg4[%mul3A_407, %dma_start3A_415] : memref<425984x64xf32, #tpu.memory_space<hbm>> -> memref<128x64xf32, #tpu.memory_space<hbm>>
      %dma_start3A_417 = arith.constant 0 : i32
      %dma_start3A_418 = arith.constant 0 : i32
      %dma_start3A_419 = tpu.memref_slice %arg6[%dma_start3A_408, %dma_start3A_417, %dma_start3A_418] : memref<8x128x64xf32, #tpu.memory_space<vmem>> -> memref<1x128x64xf32, #tpu.memory_space<vmem>>
      %dma_start3A_420 = tpu.memref_squeeze %dma_start3A_419 : memref<1x128x64xf32, #tpu.memory_space<vmem>> -> memref<128x64xf32, #tpu.memory_space<vmem>>
      tpu.enqueue_dma source(%dma_start3A_420 : memref<128x64xf32, #tpu.memory_space<vmem>>) target(%dma_start3A_416 : memref<128x64xf32, #tpu.memory_space<hbm>>) target_semaphore(%arg19 : memref<!tpu.dma_semaphore, #tpu.memory_space<semaphore_mem>>)
      %mul3A_421 = arith.constant 8 : i32
      %mul3A_422 = arith.muli %scan3A_154, %mul3A_421 : i32
      %add3A_423 = arith.constant 6 : i32
      %add3A_424 = arith.addi %mul3A_422, %add3A_423 : i32
      %gt3A_425 = arith.constant 0 : i32
      %gt3A_426 = arith.cmpi sgt, %scan3A_154, %gt3A_425 : i32
      %convert_element_type3A_427 = arith.extui %gt3A_426 : i1 to i32
      %cond3A_428 = arith.constant 0 : i32
      %cond3A_429 = arith.cmpi ne, %convert_element_type3A_427, %cond3A_428 : i32
      scf.if %cond3A_429 {
        %dma_wait3A_519 = arith.constant 6 : i32
        %dma_wait3A_520 = arith.constant 0 : i32
        %dma_wait3A_521 = arith.constant 0 : i32
        %dma_wait3A_522 = tpu.memref_slice %arg6[%dma_wait3A_519, %dma_wait3A_520, %dma_wait3A_521] : memref<8x128x64xf32, #tpu.memory_space<vmem>> -> memref<1x128x64xf32, #tpu.memory_space<vmem>>
        %dma_wait3A_523 = tpu.memref_squeeze %dma_wait3A_522 : memref<1x128x64xf32, #tpu.memory_space<vmem>> -> memref<128x64xf32, #tpu.memory_space<vmem>>
        %dma_wait3A_524 = arith.constant 0 : i32
        %dma_wait3A_525 = arith.constant 0 : i32
        %dma_wait3A_526 = tpu.memref_slice %arg4[%dma_wait3A_524, %dma_wait3A_525] : memref<425984x64xf32, #tpu.memory_space<hbm>> -> memref<128x64xf32, #tpu.memory_space<hbm>>
        %dma_wait3A_527 = arith.constant 0 : i32
        %dma_wait3A_528 = arith.constant 0 : i32
        %dma_wait3A_529 = tpu.memref_slice %arg4[%dma_wait3A_527, %dma_wait3A_528] : memref<425984x64xf32, #tpu.memory_space<hbm>> -> memref<128x64xf32, #tpu.memory_space<hbm>>
        %dma_wait3A_530 = arith.constant 0 : i32
        %dma_wait3A_531 = arith.constant 0 : i32
        %dma_wait3A_532 = tpu.memref_slice %arg6[%dma_wait3A_519, %dma_wait3A_530, %dma_wait3A_531] : memref<8x128x64xf32, #tpu.memory_space<vmem>> -> memref<1x128x64xf32, #tpu.memory_space<vmem>>
        %dma_wait3A_533 = tpu.memref_squeeze %dma_wait3A_532 : memref<1x128x64xf32, #tpu.memory_space<vmem>> -> memref<128x64xf32, #tpu.memory_space<vmem>>
        tpu.wait_dma2 semaphore(%arg21 : memref<!tpu.dma_semaphore, #tpu.memory_space<semaphore_mem>>) src(%dma_wait3A_533 : memref<128x64xf32, #tpu.memory_space<vmem>>) dst(%dma_wait3A_529 : memref<128x64xf32, #tpu.memory_space<hbm>>)
      } else {
      }
      %dma_start3A_430 = arith.constant 6 : i32
      %dma_start3A_431 = arith.constant 0 : i32
      %dma_start3A_432 = arith.constant 0 : i32
      %dma_start3A_433 = tpu.memref_slice %arg6[%dma_start3A_430, %dma_start3A_431, %dma_start3A_432] : memref<8x128x64xf32, #tpu.memory_space<vmem>> -> memref<1x128x64xf32, #tpu.memory_space<vmem>>
      %dma_start3A_434 = tpu.memref_squeeze %dma_start3A_433 : memref<1x128x64xf32, #tpu.memory_space<vmem>> -> memref<128x64xf32, #tpu.memory_space<vmem>>
      %dma_start3A_435 = arith.constant 0 : i32
      %dma_start3A_436 = tpu.memref_slice %arg5[%add3A_424, %dma_start3A_435] : memref<104x128xi32, #tpu.memory_space<vmem>> -> memref<1x128xi32, #tpu.memory_space<vmem>>
      %dma_start3A_437 = tpu.memref_squeeze %dma_start3A_436 : memref<1x128xi32, #tpu.memory_space<vmem>> -> memref<128xi32, #tpu.memory_space<vmem>>
      %dma_start3A_438 = arith.constant 0 : i32
      %dma_start3A_439 = arith.constant 0 : i32
      %dma_start3A_440 = tpu.memref_slice %arg3[%dma_start3A_438, %dma_start3A_439] : memref<1000000x64xf32, #tpu.memory_space<hbm>> -> memref<1000000x64xf32, #tpu.memory_space<hbm>>
      tpu.enqueue_indirect_dma source(%dma_start3A_440 : memref<1000000x64xf32, #tpu.memory_space<hbm>>) target(%dma_start3A_434 : memref<128x64xf32, #tpu.memory_space<vmem>>) offsets(%dma_start3A_437 : memref<128xi32, #tpu.memory_space<vmem>>) semaphore(%arg13 : memref<!tpu.dma_semaphore, #tpu.memory_space<semaphore_mem>>)
      %sub3A_441 = arith.constant 1 : i32
      %sub3A_442 = arith.subi %add3A_424, %sub3A_441 : i32
      %dma_wait3A_443 = arith.constant 5 : i32
      %dma_wait3A_444 = arith.constant 0 : i32
      %dma_wait3A_445 = arith.constant 0 : i32
      %dma_wait3A_446 = tpu.memref_slice %arg6[%dma_wait3A_443, %dma_wait3A_444, %dma_wait3A_445] : memref<8x128x64xf32, #tpu.memory_space<vmem>> -> memref<1x128x64xf32, #tpu.memory_space<vmem>>
      %dma_wait3A_447 = tpu.memref_squeeze %dma_wait3A_446 : memref<1x128x64xf32, #tpu.memory_space<vmem>> -> memref<128x64xf32, #tpu.memory_space<vmem>>
      %dma_wait3A_448 = arith.constant 0 : i32
      %dma_wait3A_449 = tpu.memref_slice %arg5[%sub3A_442, %dma_wait3A_448] : memref<104x128xi32, #tpu.memory_space<vmem>> -> memref<1x128xi32, #tpu.memory_space<vmem>>
      %dma_wait3A_450 = tpu.memref_squeeze %dma_wait3A_449 : memref<1x128xi32, #tpu.memory_space<vmem>> -> memref<128xi32, #tpu.memory_space<vmem>>
      %dma_wait3A_451 = arith.constant 0 : i32
      %dma_wait3A_452 = arith.constant 0 : i32
      %dma_wait3A_453 = tpu.memref_slice %arg3[%dma_wait3A_451, %dma_wait3A_452] : memref<1000000x64xf32, #tpu.memory_space<hbm>> -> memref<1000000x64xf32, #tpu.memory_space<hbm>>
      tpu.wait_indirect_dma semaphore(%arg12 : memref<!tpu.dma_semaphore, #tpu.memory_space<semaphore_mem>>) src(%dma_wait3A_453 : memref<1000000x64xf32, #tpu.memory_space<hbm>>) dst(%dma_wait3A_447 : memref<128x64xf32, #tpu.memory_space<vmem>>)
      %add3A_454 = arith.addi %mul3A_2, %sub3A_442 : i32
      %mul3A_455 = arith.constant 128 : i32
      %mul3A_456 = arith.muli %add3A_454, %mul3A_455 : i32
      %dma_start3A_457 = arith.constant 5 : i32
      %dma_start3A_458 = arith.constant 0 : i32
      %dma_start3A_459 = arith.constant 0 : i32
      %dma_start3A_460 = tpu.memref_slice %arg6[%dma_start3A_457, %dma_start3A_458, %dma_start3A_459] : memref<8x128x64xf32, #tpu.memory_space<vmem>> -> memref<1x128x64xf32, #tpu.memory_space<vmem>>
      %dma_start3A_461 = tpu.memref_squeeze %dma_start3A_460 : memref<1x128x64xf32, #tpu.memory_space<vmem>> -> memref<128x64xf32, #tpu.memory_space<vmem>>
      %dma_start3A_462 = arith.constant 0 : i32
      %dma_start3A_463 = tpu.memref_slice %arg4[%mul3A_456, %dma_start3A_462] : memref<425984x64xf32, #tpu.memory_space<hbm>> -> memref<128x64xf32, #tpu.memory_space<hbm>>
      %dma_start3A_464 = arith.constant 0 : i32
      %dma_start3A_465 = tpu.memref_slice %arg4[%mul3A_456, %dma_start3A_464] : memref<425984x64xf32, #tpu.memory_space<hbm>> -> memref<128x64xf32, #tpu.memory_space<hbm>>
      %dma_start3A_466 = arith.constant 0 : i32
      %dma_start3A_467 = arith.constant 0 : i32
      %dma_start3A_468 = tpu.memref_slice %arg6[%dma_start3A_457, %dma_start3A_466, %dma_start3A_467] : memref<8x128x64xf32, #tpu.memory_space<vmem>> -> memref<1x128x64xf32, #tpu.memory_space<vmem>>
      %dma_start3A_469 = tpu.memref_squeeze %dma_start3A_468 : memref<1x128x64xf32, #tpu.memory_space<vmem>> -> memref<128x64xf32, #tpu.memory_space<vmem>>
      tpu.enqueue_dma source(%dma_start3A_469 : memref<128x64xf32, #tpu.memory_space<vmem>>) target(%dma_start3A_465 : memref<128x64xf32, #tpu.memory_space<hbm>>) target_semaphore(%arg20 : memref<!tpu.dma_semaphore, #tpu.memory_space<semaphore_mem>>)
      %mul3A_470 = arith.constant 8 : i32
      %mul3A_471 = arith.muli %scan3A_154, %mul3A_470 : i32
      %add3A_472 = arith.constant 7 : i32
      %add3A_473 = arith.addi %mul3A_471, %add3A_472 : i32
      %gt3A_474 = arith.constant 0 : i32
      %gt3A_475 = arith.cmpi sgt, %scan3A_154, %gt3A_474 : i32
      %convert_element_type3A_476 = arith.extui %gt3A_475 : i1 to i32
      %cond3A_477 = arith.constant 0 : i32
      %cond3A_478 = arith.cmpi ne, %convert_element_type3A_476, %cond3A_477 : i32
      scf.if %cond3A_478 {
        %dma_wait3A_519 = arith.constant 7 : i32
        %dma_wait3A_520 = arith.constant 0 : i32
        %dma_wait3A_521 = arith.constant 0 : i32
        %dma_wait3A_522 = tpu.memref_slice %arg6[%dma_wait3A_519, %dma_wait3A_520, %dma_wait3A_521] : memref<8x128x64xf32, #tpu.memory_space<vmem>> -> memref<1x128x64xf32, #tpu.memory_space<vmem>>
        %dma_wait3A_523 = tpu.memref_squeeze %dma_wait3A_522 : memref<1x128x64xf32, #tpu.memory_space<vmem>> -> memref<128x64xf32, #tpu.memory_space<vmem>>
        %dma_wait3A_524 = arith.constant 0 : i32
        %dma_wait3A_525 = arith.constant 0 : i32
        %dma_wait3A_526 = tpu.memref_slice %arg4[%dma_wait3A_524, %dma_wait3A_525] : memref<425984x64xf32, #tpu.memory_space<hbm>> -> memref<128x64xf32, #tpu.memory_space<hbm>>
        %dma_wait3A_527 = arith.constant 0 : i32
        %dma_wait3A_528 = arith.constant 0 : i32
        %dma_wait3A_529 = tpu.memref_slice %arg4[%dma_wait3A_527, %dma_wait3A_528] : memref<425984x64xf32, #tpu.memory_space<hbm>> -> memref<128x64xf32, #tpu.memory_space<hbm>>
        %dma_wait3A_530 = arith.constant 0 : i32
        %dma_wait3A_531 = arith.constant 0 : i32
        %dma_wait3A_532 = tpu.memref_slice %arg6[%dma_wait3A_519, %dma_wait3A_530, %dma_wait3A_531] : memref<8x128x64xf32, #tpu.memory_space<vmem>> -> memref<1x128x64xf32, #tpu.memory_space<vmem>>
        %dma_wait3A_533 = tpu.memref_squeeze %dma_wait3A_532 : memref<1x128x64xf32, #tpu.memory_space<vmem>> -> memref<128x64xf32, #tpu.memory_space<vmem>>
        tpu.wait_dma2 semaphore(%arg22 : memref<!tpu.dma_semaphore, #tpu.memory_space<semaphore_mem>>) src(%dma_wait3A_533 : memref<128x64xf32, #tpu.memory_space<vmem>>) dst(%dma_wait3A_529 : memref<128x64xf32, #tpu.memory_space<hbm>>)
      } else {
      }
      %dma_start3A_479 = arith.constant 7 : i32
      %dma_start3A_480 = arith.constant 0 : i32
      %dma_start3A_481 = arith.constant 0 : i32
      %dma_start3A_482 = tpu.memref_slice %arg6[%dma_start3A_479, %dma_start3A_480, %dma_start3A_481] : memref<8x128x64xf32, #tpu.memory_space<vmem>> -> memref<1x128x64xf32, #tpu.memory_space<vmem>>
      %dma_start3A_483 = tpu.memref_squeeze %dma_start3A_482 : memref<1x128x64xf32, #tpu.memory_space<vmem>> -> memref<128x64xf32, #tpu.memory_space<vmem>>
      %dma_start3A_484 = arith.constant 0 : i32
      %dma_start3A_485 = tpu.memref_slice %arg5[%add3A_473, %dma_start3A_484] : memref<104x128xi32, #tpu.memory_space<vmem>> -> memref<1x128xi32, #tpu.memory_space<vmem>>
      %dma_start3A_486 = tpu.memref_squeeze %dma_start3A_485 : memref<1x128xi32, #tpu.memory_space<vmem>> -> memref<128xi32, #tpu.memory_space<vmem>>
      %dma_start3A_487 = arith.constant 0 : i32
      %dma_start3A_488 = arith.constant 0 : i32
      %dma_start3A_489 = tpu.memref_slice %arg3[%dma_start3A_487, %dma_start3A_488] : memref<1000000x64xf32, #tpu.memory_space<hbm>> -> memref<1000000x64xf32, #tpu.memory_space<hbm>>
      tpu.enqueue_indirect_dma source(%dma_start3A_489 : memref<1000000x64xf32, #tpu.memory_space<hbm>>) target(%dma_start3A_483 : memref<128x64xf32, #tpu.memory_space<vmem>>) offsets(%dma_start3A_486 : memref<128xi32, #tpu.memory_space<vmem>>) semaphore(%arg14 : memref<!tpu.dma_semaphore, #tpu.memory_space<semaphore_mem>>)
      %sub3A_490 = arith.constant 1 : i32
      %sub3A_491 = arith.subi %add3A_473, %sub3A_490 : i32
      %dma_wait3A_492 = arith.constant 6 : i32
      %dma_wait3A_493 = arith.constant 0 : i32
      %dma_wait3A_494 = arith.constant 0 : i32
      %dma_wait3A_495 = tpu.memref_slice %arg6[%dma_wait3A_492, %dma_wait3A_493, %dma_wait3A_494] : memref<8x128x64xf32, #tpu.memory_space<vmem>> -> memref<1x128x64xf32, #tpu.memory_space<vmem>>
      %dma_wait3A_496 = tpu.memref_squeeze %dma_wait3A_495 : memref<1x128x64xf32, #tpu.memory_space<vmem>> -> memref<128x64xf32, #tpu.memory_space<vmem>>
      %dma_wait3A_497 = arith.constant 0 : i32
      %dma_wait3A_498 = tpu.memref_slice %arg5[%sub3A_491, %dma_wait3A_497] : memref<104x128xi32, #tpu.memory_space<vmem>> -> memref<1x128xi32, #tpu.memory_space<vmem>>
      %dma_wait3A_499 = tpu.memref_squeeze %dma_wait3A_498 : memref<1x128xi32, #tpu.memory_space<vmem>> -> memref<128xi32, #tpu.memory_space<vmem>>
      %dma_wait3A_500 = arith.constant 0 : i32
      %dma_wait3A_501 = arith.constant 0 : i32
      %dma_wait3A_502 = tpu.memref_slice %arg3[%dma_wait3A_500, %dma_wait3A_501] : memref<1000000x64xf32, #tpu.memory_space<hbm>> -> memref<1000000x64xf32, #tpu.memory_space<hbm>>
      tpu.wait_indirect_dma semaphore(%arg13 : memref<!tpu.dma_semaphore, #tpu.memory_space<semaphore_mem>>) src(%dma_wait3A_502 : memref<1000000x64xf32, #tpu.memory_space<hbm>>) dst(%dma_wait3A_496 : memref<128x64xf32, #tpu.memory_space<vmem>>)
      %add3A_503 = arith.addi %mul3A_2, %sub3A_491 : i32
      %mul3A_504 = arith.constant 128 : i32
      %mul3A_505 = arith.muli %add3A_503, %mul3A_504 : i32
      %dma_start3A_506 = arith.constant 6 : i32
      %dma_start3A_507 = arith.constant 0 : i32
      %dma_start3A_508 = arith.constant 0 : i32
      %dma_start3A_509 = tpu.memref_slice %arg6[%dma_start3A_506, %dma_start3A_507, %dma_start3A_508] : memref<8x128x64xf32, #tpu.memory_space<vmem>> -> memref<1x128x64xf32, #tpu.memory_space<vmem>>
      %dma_start3A_510 = tpu.memref_squeeze %dma_start3A_509 : memref<1x128x64xf32, #tpu.memory_space<vmem>> -> memref<128x64xf32, #tpu.memory_space<vmem>>
      %dma_start3A_511 = arith.constant 0 : i32
      %dma_start3A_512 = tpu.memref_slice %arg4[%mul3A_505, %dma_start3A_511] : memref<425984x64xf32, #tpu.memory_space<hbm>> -> memref<128x64xf32, #tpu.memory_space<hbm>>
      %dma_start3A_513 = arith.constant 0 : i32
      %dma_start3A_514 = tpu.memref_slice %arg4[%mul3A_505, %dma_start3A_513] : memref<425984x64xf32, #tpu.memory_space<hbm>> -> memref<128x64xf32, #tpu.memory_space<hbm>>
      %dma_start3A_515 = arith.constant 0 : i32
      %dma_start3A_516 = arith.constant 0 : i32
      %dma_start3A_517 = tpu.memref_slice %arg6[%dma_start3A_506, %dma_start3A_515, %dma_start3A_516] : memref<8x128x64xf32, #tpu.memory_space<vmem>> -> memref<1x128x64xf32, #tpu.memory_space<vmem>>
      %dma_start3A_518 = tpu.memref_squeeze %dma_start3A_517 : memref<1x128x64xf32, #tpu.memory_space<vmem>> -> memref<128x64xf32, #tpu.memory_space<vmem>>
      tpu.enqueue_dma source(%dma_start3A_518 : memref<128x64xf32, #tpu.memory_space<vmem>>) target(%dma_start3A_514 : memref<128x64xf32, #tpu.memory_space<hbm>>) target_semaphore(%arg21 : memref<!tpu.dma_semaphore, #tpu.memory_space<semaphore_mem>>)
    }
    %scan3A_6 = arith.constant 13 : i32
    %dma_wait3A = arith.constant 103 : i32
    %dma_wait3A_7 = arith.constant 7 : i32
    %dma_wait3A_8 = arith.constant 0 : i32
    %dma_wait3A_9 = arith.constant 0 : i32
    %dma_wait3A_10 = tpu.memref_slice %arg6[%dma_wait3A_7, %dma_wait3A_8, %dma_wait3A_9] : memref<8x128x64xf32, #tpu.memory_space<vmem>> -> memref<1x128x64xf32, #tpu.memory_space<vmem>>
    %dma_wait3A_11 = tpu.memref_squeeze %dma_wait3A_10 : memref<1x128x64xf32, #tpu.memory_space<vmem>> -> memref<128x64xf32, #tpu.memory_space<vmem>>
    %dma_wait3A_12 = arith.constant 0 : i32
    %dma_wait3A_13 = tpu.memref_slice %arg5[%dma_wait3A, %dma_wait3A_12] : memref<104x128xi32, #tpu.memory_space<vmem>> -> memref<1x128xi32, #tpu.memory_space<vmem>>
    %dma_wait3A_14 = tpu.memref_squeeze %dma_wait3A_13 : memref<1x128xi32, #tpu.memory_space<vmem>> -> memref<128xi32, #tpu.memory_space<vmem>>
    %dma_wait3A_15 = arith.constant 0 : i32
    %dma_wait3A_16 = arith.constant 0 : i32
    %dma_wait3A_17 = tpu.memref_slice %arg3[%dma_wait3A_15, %dma_wait3A_16] : memref<1000000x64xf32, #tpu.memory_space<hbm>> -> memref<1000000x64xf32, #tpu.memory_space<hbm>>
    tpu.wait_indirect_dma semaphore(%arg14 : memref<!tpu.dma_semaphore, #tpu.memory_space<semaphore_mem>>) src(%dma_wait3A_17 : memref<1000000x64xf32, #tpu.memory_space<hbm>>) dst(%dma_wait3A_11 : memref<128x64xf32, #tpu.memory_space<vmem>>)
    %add3A_18 = arith.constant 103 : i32
    %add3A_19 = arith.addi %mul3A_2, %add3A_18 : i32
    %mul3A_20 = arith.constant 128 : i32
    %mul3A_21 = arith.muli %add3A_19, %mul3A_20 : i32
    %dma_start3A = arith.constant 7 : i32
    %dma_start3A_22 = arith.constant 0 : i32
    %dma_start3A_23 = arith.constant 0 : i32
    %dma_start3A_24 = tpu.memref_slice %arg6[%dma_start3A, %dma_start3A_22, %dma_start3A_23] : memref<8x128x64xf32, #tpu.memory_space<vmem>> -> memref<1x128x64xf32, #tpu.memory_space<vmem>>
    %dma_start3A_25 = tpu.memref_squeeze %dma_start3A_24 : memref<1x128x64xf32, #tpu.memory_space<vmem>> -> memref<128x64xf32, #tpu.memory_space<vmem>>
    %dma_start3A_26 = arith.constant 0 : i32
    %dma_start3A_27 = tpu.memref_slice %arg4[%mul3A_21, %dma_start3A_26] : memref<425984x64xf32, #tpu.memory_space<hbm>> -> memref<128x64xf32, #tpu.memory_space<hbm>>
    %dma_start3A_28 = arith.constant 0 : i32
    %dma_start3A_29 = tpu.memref_slice %arg4[%mul3A_21, %dma_start3A_28] : memref<425984x64xf32, #tpu.memory_space<hbm>> -> memref<128x64xf32, #tpu.memory_space<hbm>>
    %dma_start3A_30 = arith.constant 0 : i32
    %dma_start3A_31 = arith.constant 0 : i32
    %dma_start3A_32 = tpu.memref_slice %arg6[%dma_start3A, %dma_start3A_30, %dma_start3A_31] : memref<8x128x64xf32, #tpu.memory_space<vmem>> -> memref<1x128x64xf32, #tpu.memory_space<vmem>>
    %dma_start3A_33 = tpu.memref_squeeze %dma_start3A_32 : memref<1x128x64xf32, #tpu.memory_space<vmem>> -> memref<128x64xf32, #tpu.memory_space<vmem>>
    tpu.enqueue_dma source(%dma_start3A_33 : memref<128x64xf32, #tpu.memory_space<vmem>>) target(%dma_start3A_29 : memref<128x64xf32, #tpu.memory_space<hbm>>) target_semaphore(%arg22 : memref<!tpu.dma_semaphore, #tpu.memory_space<semaphore_mem>>)
    %dma_wait3A_34 = arith.constant 0 : i32
    %dma_wait3A_35 = arith.constant 0 : i32
    %dma_wait3A_36 = arith.constant 0 : i32
    %dma_wait3A_37 = tpu.memref_slice %arg6[%dma_wait3A_34, %dma_wait3A_35, %dma_wait3A_36] : memref<8x128x64xf32, #tpu.memory_space<vmem>> -> memref<1x128x64xf32, #tpu.memory_space<vmem>>
    %dma_wait3A_38 = tpu.memref_squeeze %dma_wait3A_37 : memref<1x128x64xf32, #tpu.memory_space<vmem>> -> memref<128x64xf32, #tpu.memory_space<vmem>>
    %dma_wait3A_39 = arith.constant 0 : i32
    %dma_wait3A_40 = arith.constant 0 : i32
    %dma_wait3A_41 = tpu.memref_slice %arg4[%dma_wait3A_39, %dma_wait3A_40] : memref<425984x64xf32, #tpu.memory_space<hbm>> -> memref<128x64xf32, #tpu.memory_space<hbm>>
    %dma_wait3A_42 = arith.constant 0 : i32
    %dma_wait3A_43 = arith.constant 0 : i32
    %dma_wait3A_44 = tpu.memref_slice %arg4[%dma_wait3A_42, %dma_wait3A_43] : memref<425984x64xf32, #tpu.memory_space<hbm>> -> memref<128x64xf32, #tpu.memory_space<hbm>>
    %dma_wait3A_45 = arith.constant 0 : i32
    %dma_wait3A_46 = arith.constant 0 : i32
    %dma_wait3A_47 = tpu.memref_slice %arg6[%dma_wait3A_34, %dma_wait3A_45, %dma_wait3A_46] : memref<8x128x64xf32, #tpu.memory_space<vmem>> -> memref<1x128x64xf32, #tpu.memory_space<vmem>>
    %dma_wait3A_48 = tpu.memref_squeeze %dma_wait3A_47 : memref<1x128x64xf32, #tpu.memory_space<vmem>> -> memref<128x64xf32, #tpu.memory_space<vmem>>
    tpu.wait_dma2 semaphore(%arg15 : memref<!tpu.dma_semaphore, #tpu.memory_space<semaphore_mem>>) src(%dma_wait3A_48 : memref<128x64xf32, #tpu.memory_space<vmem>>) dst(%dma_wait3A_44 : memref<128x64xf32, #tpu.memory_space<hbm>>)
    %dma_wait3A_49 = arith.constant 1 : i32
    %dma_wait3A_50 = arith.constant 0 : i32
    %dma_wait3A_51 = arith.constant 0 : i32
    %dma_wait3A_52 = tpu.memref_slice %arg6[%dma_wait3A_49, %dma_wait3A_50, %dma_wait3A_51] : memref<8x128x64xf32, #tpu.memory_space<vmem>> -> memref<1x128x64xf32, #tpu.memory_space<vmem>>
    %dma_wait3A_53 = tpu.memref_squeeze %dma_wait3A_52 : memref<1x128x64xf32, #tpu.memory_space<vmem>> -> memref<128x64xf32, #tpu.memory_space<vmem>>
    %dma_wait3A_54 = arith.constant 0 : i32
    %dma_wait3A_55 = arith.constant 0 : i32
    %dma_wait3A_56 = tpu.memref_slice %arg4[%dma_wait3A_54, %dma_wait3A_55] : memref<425984x64xf32, #tpu.memory_space<hbm>> -> memref<128x64xf32, #tpu.memory_space<hbm>>
    %dma_wait3A_57 = arith.constant 0 : i32
    %dma_wait3A_58 = arith.constant 0 : i32
    %dma_wait3A_59 = tpu.memref_slice %arg4[%dma_wait3A_57, %dma_wait3A_58] : memref<425984x64xf32, #tpu.memory_space<hbm>> -> memref<128x64xf32, #tpu.memory_space<hbm>>
    %dma_wait3A_60 = arith.constant 0 : i32
    %dma_wait3A_61 = arith.constant 0 : i32
    %dma_wait3A_62 = tpu.memref_slice %arg6[%dma_wait3A_49, %dma_wait3A_60, %dma_wait3A_61] : memref<8x128x64xf32, #tpu.memory_space<vmem>> -> memref<1x128x64xf32, #tpu.memory_space<vmem>>
    %dma_wait3A_63 = tpu.memref_squeeze %dma_wait3A_62 : memref<1x128x64xf32, #tpu.memory_space<vmem>> -> memref<128x64xf32, #tpu.memory_space<vmem>>
    tpu.wait_dma2 semaphore(%arg16 : memref<!tpu.dma_semaphore, #tpu.memory_space<semaphore_mem>>) src(%dma_wait3A_63 : memref<128x64xf32, #tpu.memory_space<vmem>>) dst(%dma_wait3A_59 : memref<128x64xf32, #tpu.memory_space<hbm>>)
    %dma_wait3A_64 = arith.constant 2 : i32
    %dma_wait3A_65 = arith.constant 0 : i32
    %dma_wait3A_66 = arith.constant 0 : i32
    %dma_wait3A_67 = tpu.memref_slice %arg6[%dma_wait3A_64, %dma_wait3A_65, %dma_wait3A_66] : memref<8x128x64xf32, #tpu.memory_space<vmem>> -> memref<1x128x64xf32, #tpu.memory_space<vmem>>
    %dma_wait3A_68 = tpu.memref_squeeze %dma_wait3A_67 : memref<1x128x64xf32, #tpu.memory_space<vmem>> -> memref<128x64xf32, #tpu.memory_space<vmem>>
    %dma_wait3A_69 = arith.constant 0 : i32
    %dma_wait3A_70 = arith.constant 0 : i32
    %dma_wait3A_71 = tpu.memref_slice %arg4[%dma_wait3A_69, %dma_wait3A_70] : memref<425984x64xf32, #tpu.memory_space<hbm>> -> memref<128x64xf32, #tpu.memory_space<hbm>>
    %dma_wait3A_72 = arith.constant 0 : i32
    %dma_wait3A_73 = arith.constant 0 : i32
    %dma_wait3A_74 = tpu.memref_slice %arg4[%dma_wait3A_72, %dma_wait3A_73] : memref<425984x64xf32, #tpu.memory_space<hbm>> -> memref<128x64xf32, #tpu.memory_space<hbm>>
    %dma_wait3A_75 = arith.constant 0 : i32
    %dma_wait3A_76 = arith.constant 0 : i32
    %dma_wait3A_77 = tpu.memref_slice %arg6[%dma_wait3A_64, %dma_wait3A_75, %dma_wait3A_76] : memref<8x128x64xf32, #tpu.memory_space<vmem>> -> memref<1x128x64xf32, #tpu.memory_space<vmem>>
    %dma_wait3A_78 = tpu.memref_squeeze %dma_wait3A_77 : memref<1x128x64xf32, #tpu.memory_space<vmem>> -> memref<128x64xf32, #tpu.memory_space<vmem>>
    tpu.wait_dma2 semaphore(%arg17 : memref<!tpu.dma_semaphore, #tpu.memory_space<semaphore_mem>>) src(%dma_wait3A_78 : memref<128x64xf32, #tpu.memory_space<vmem>>) dst(%dma_wait3A_74 : memref<128x64xf32, #tpu.memory_space<hbm>>)
    %dma_wait3A_79 = arith.constant 3 : i32
    %dma_wait3A_80 = arith.constant 0 : i32
    %dma_wait3A_81 = arith.constant 0 : i32
    %dma_wait3A_82 = tpu.memref_slice %arg6[%dma_wait3A_79, %dma_wait3A_80, %dma_wait3A_81] : memref<8x128x64xf32, #tpu.memory_space<vmem>> -> memref<1x128x64xf32, #tpu.memory_space<vmem>>
    %dma_wait3A_83 = tpu.memref_squeeze %dma_wait3A_82 : memref<1x128x64xf32, #tpu.memory_space<vmem>> -> memref<128x64xf32, #tpu.memory_space<vmem>>
    %dma_wait3A_84 = arith.constant 0 : i32
    %dma_wait3A_85 = arith.constant 0 : i32
    %dma_wait3A_86 = tpu.memref_slice %arg4[%dma_wait3A_84, %dma_wait3A_85] : memref<425984x64xf32, #tpu.memory_space<hbm>> -> memref<128x64xf32, #tpu.memory_space<hbm>>
    %dma_wait3A_87 = arith.constant 0 : i32
    %dma_wait3A_88 = arith.constant 0 : i32
    %dma_wait3A_89 = tpu.memref_slice %arg4[%dma_wait3A_87, %dma_wait3A_88] : memref<425984x64xf32, #tpu.memory_space<hbm>> -> memref<128x64xf32, #tpu.memory_space<hbm>>
    %dma_wait3A_90 = arith.constant 0 : i32
    %dma_wait3A_91 = arith.constant 0 : i32
    %dma_wait3A_92 = tpu.memref_slice %arg6[%dma_wait3A_79, %dma_wait3A_90, %dma_wait3A_91] : memref<8x128x64xf32, #tpu.memory_space<vmem>> -> memref<1x128x64xf32, #tpu.memory_space<vmem>>
    %dma_wait3A_93 = tpu.memref_squeeze %dma_wait3A_92 : memref<1x128x64xf32, #tpu.memory_space<vmem>> -> memref<128x64xf32, #tpu.memory_space<vmem>>
    tpu.wait_dma2 semaphore(%arg18 : memref<!tpu.dma_semaphore, #tpu.memory_space<semaphore_mem>>) src(%dma_wait3A_93 : memref<128x64xf32, #tpu.memory_space<vmem>>) dst(%dma_wait3A_89 : memref<128x64xf32, #tpu.memory_space<hbm>>)
    %dma_wait3A_94 = arith.constant 4 : i32
    %dma_wait3A_95 = arith.constant 0 : i32
    %dma_wait3A_96 = arith.constant 0 : i32
    %dma_wait3A_97 = tpu.memref_slice %arg6[%dma_wait3A_94, %dma_wait3A_95, %dma_wait3A_96] : memref<8x128x64xf32, #tpu.memory_space<vmem>> -> memref<1x128x64xf32, #tpu.memory_space<vmem>>
    %dma_wait3A_98 = tpu.memref_squeeze %dma_wait3A_97 : memref<1x128x64xf32, #tpu.memory_space<vmem>> -> memref<128x64xf32, #tpu.memory_space<vmem>>
    %dma_wait3A_99 = arith.constant 0 : i32
    %dma_wait3A_100 = arith.constant 0 : i32
    %dma_wait3A_101 = tpu.memref_slice %arg4[%dma_wait3A_99, %dma_wait3A_100] : memref<425984x64xf32, #tpu.memory_space<hbm>> -> memref<128x64xf32, #tpu.memory_space<hbm>>
    %dma_wait3A_102 = arith.constant 0 : i32
    %dma_wait3A_103 = arith.constant 0 : i32
    %dma_wait3A_104 = tpu.memref_slice %arg4[%dma_wait3A_102, %dma_wait3A_103] : memref<425984x64xf32, #tpu.memory_space<hbm>> -> memref<128x64xf32, #tpu.memory_space<hbm>>
    %dma_wait3A_105 = arith.constant 0 : i32
    %dma_wait3A_106 = arith.constant 0 : i32
    %dma_wait3A_107 = tpu.memref_slice %arg6[%dma_wait3A_94, %dma_wait3A_105, %dma_wait3A_106] : memref<8x128x64xf32, #tpu.memory_space<vmem>> -> memref<1x128x64xf32, #tpu.memory_space<vmem>>
    %dma_wait3A_108 = tpu.memref_squeeze %dma_wait3A_107 : memref<1x128x64xf32, #tpu.memory_space<vmem>> -> memref<128x64xf32, #tpu.memory_space<vmem>>
    tpu.wait_dma2 semaphore(%arg19 : memref<!tpu.dma_semaphore, #tpu.memory_space<semaphore_mem>>) src(%dma_wait3A_108 : memref<128x64xf32, #tpu.memory_space<vmem>>) dst(%dma_wait3A_104 : memref<128x64xf32, #tpu.memory_space<hbm>>)
    %dma_wait3A_109 = arith.constant 5 : i32
    %dma_wait3A_110 = arith.constant 0 : i32
    %dma_wait3A_111 = arith.constant 0 : i32
    %dma_wait3A_112 = tpu.memref_slice %arg6[%dma_wait3A_109, %dma_wait3A_110, %dma_wait3A_111] : memref<8x128x64xf32, #tpu.memory_space<vmem>> -> memref<1x128x64xf32, #tpu.memory_space<vmem>>
    %dma_wait3A_113 = tpu.memref_squeeze %dma_wait3A_112 : memref<1x128x64xf32, #tpu.memory_space<vmem>> -> memref<128x64xf32, #tpu.memory_space<vmem>>
    %dma_wait3A_114 = arith.constant 0 : i32
    %dma_wait3A_115 = arith.constant 0 : i32
    %dma_wait3A_116 = tpu.memref_slice %arg4[%dma_wait3A_114, %dma_wait3A_115] : memref<425984x64xf32, #tpu.memory_space<hbm>> -> memref<128x64xf32, #tpu.memory_space<hbm>>
    %dma_wait3A_117 = arith.constant 0 : i32
    %dma_wait3A_118 = arith.constant 0 : i32
    %dma_wait3A_119 = tpu.memref_slice %arg4[%dma_wait3A_117, %dma_wait3A_118] : memref<425984x64xf32, #tpu.memory_space<hbm>> -> memref<128x64xf32, #tpu.memory_space<hbm>>
    %dma_wait3A_120 = arith.constant 0 : i32
    %dma_wait3A_121 = arith.constant 0 : i32
    %dma_wait3A_122 = tpu.memref_slice %arg6[%dma_wait3A_109, %dma_wait3A_120, %dma_wait3A_121] : memref<8x128x64xf32, #tpu.memory_space<vmem>> -> memref<1x128x64xf32, #tpu.memory_space<vmem>>
    %dma_wait3A_123 = tpu.memref_squeeze %dma_wait3A_122 : memref<1x128x64xf32, #tpu.memory_space<vmem>> -> memref<128x64xf32, #tpu.memory_space<vmem>>
    tpu.wait_dma2 semaphore(%arg20 : memref<!tpu.dma_semaphore, #tpu.memory_space<semaphore_mem>>) src(%dma_wait3A_123 : memref<128x64xf32, #tpu.memory_space<vmem>>) dst(%dma_wait3A_119 : memref<128x64xf32, #tpu.memory_space<hbm>>)
    %dma_wait3A_124 = arith.constant 6 : i32
    %dma_wait3A_125 = arith.constant 0 : i32
    %dma_wait3A_126 = arith.constant 0 : i32
    %dma_wait3A_127 = tpu.memref_slice %arg6[%dma_wait3A_124, %dma_wait3A_125, %dma_wait3A_126] : memref<8x128x64xf32, #tpu.memory_space<vmem>> -> memref<1x128x64xf32, #tpu.memory_space<vmem>>
    %dma_wait3A_128 = tpu.memref_squeeze %dma_wait3A_127 : memref<1x128x64xf32, #tpu.memory_space<vmem>> -> memref<128x64xf32, #tpu.memory_space<vmem>>
    %dma_wait3A_129 = arith.constant 0 : i32
    %dma_wait3A_130 = arith.constant 0 : i32
    %dma_wait3A_131 = tpu.memref_slice %arg4[%dma_wait3A_129, %dma_wait3A_130] : memref<425984x64xf32, #tpu.memory_space<hbm>> -> memref<128x64xf32, #tpu.memory_space<hbm>>
    %dma_wait3A_132 = arith.constant 0 : i32
    %dma_wait3A_133 = arith.constant 0 : i32
    %dma_wait3A_134 = tpu.memref_slice %arg4[%dma_wait3A_132, %dma_wait3A_133] : memref<425984x64xf32, #tpu.memory_space<hbm>> -> memref<128x64xf32, #tpu.memory_space<hbm>>
    %dma_wait3A_135 = arith.constant 0 : i32
    %dma_wait3A_136 = arith.constant 0 : i32
    %dma_wait3A_137 = tpu.memref_slice %arg6[%dma_wait3A_124, %dma_wait3A_135, %dma_wait3A_136] : memref<8x128x64xf32, #tpu.memory_space<vmem>> -> memref<1x128x64xf32, #tpu.memory_space<vmem>>
    %dma_wait3A_138 = tpu.memref_squeeze %dma_wait3A_137 : memref<1x128x64xf32, #tpu.memory_space<vmem>> -> memref<128x64xf32, #tpu.memory_space<vmem>>
    tpu.wait_dma2 semaphore(%arg21 : memref<!tpu.dma_semaphore, #tpu.memory_space<semaphore_mem>>) src(%dma_wait3A_138 : memref<128x64xf32, #tpu.memory_space<vmem>>) dst(%dma_wait3A_134 : memref<128x64xf32, #tpu.memory_space<hbm>>)
    %dma_wait3A_139 = arith.constant 7 : i32
    %dma_wait3A_140 = arith.constant 0 : i32
    %dma_wait3A_141 = arith.constant 0 : i32
    %dma_wait3A_142 = tpu.memref_slice %arg6[%dma_wait3A_139, %dma_wait3A_140, %dma_wait3A_141] : memref<8x128x64xf32, #tpu.memory_space<vmem>> -> memref<1x128x64xf32, #tpu.memory_space<vmem>>
    %dma_wait3A_143 = tpu.memref_squeeze %dma_wait3A_142 : memref<1x128x64xf32, #tpu.memory_space<vmem>> -> memref<128x64xf32, #tpu.memory_space<vmem>>
    %dma_wait3A_144 = arith.constant 0 : i32
    %dma_wait3A_145 = arith.constant 0 : i32
    %dma_wait3A_146 = tpu.memref_slice %arg4[%dma_wait3A_144, %dma_wait3A_145] : memref<425984x64xf32, #tpu.memory_space<hbm>> -> memref<128x64xf32, #tpu.memory_space<hbm>>
    %dma_wait3A_147 = arith.constant 0 : i32
    %dma_wait3A_148 = arith.constant 0 : i32
    %dma_wait3A_149 = tpu.memref_slice %arg4[%dma_wait3A_147, %dma_wait3A_148] : memref<425984x64xf32, #tpu.memory_space<hbm>> -> memref<128x64xf32, #tpu.memory_space<hbm>>
    %dma_wait3A_150 = arith.constant 0 : i32
    %dma_wait3A_151 = arith.constant 0 : i32
    %dma_wait3A_152 = tpu.memref_slice %arg6[%dma_wait3A_139, %dma_wait3A_150, %dma_wait3A_151] : memref<8x128x64xf32, #tpu.memory_space<vmem>> -> memref<1x128x64xf32, #tpu.memory_space<vmem>>
    %dma_wait3A_153 = tpu.memref_squeeze %dma_wait3A_152 : memref<1x128x64xf32, #tpu.memory_space<vmem>> -> memref<128x64xf32, #tpu.memory_space<vmem>>
    tpu.wait_dma2 semaphore(%arg22 : memref<!tpu.dma_semaphore, #tpu.memory_space<semaphore_mem>>) src(%dma_wait3A_153 : memref<128x64xf32, #tpu.memory_space<vmem>>) dst(%dma_wait3A_149 : memref<128x64xf32, #tpu.memory_space<hbm>>)
    return
  }
}

</mosaic_0001>

<sc_bundles>
// kernel: _gather_call.3.cloned.1.call-start
scs
__scs_entry_jumppad:
0x0: {  	(pc) =	sbr.rel $0x88, $3  }
0x1: {  	(tag) =	ssettag $0x0;
	lr =	simm.s32 $0x1  }
0x2: {  	[smem:$0x3F9F] =	sst lr;
	_ =	strace $0xD0000000  }
0x3: {  	_ = 	snop  }
0x4: {  	_ = 	snop  }
0x5: {  	_ = 	snop  }
0x6: {  	_ = 	snop  }
0x7: {  	_ = 	snop  }
__scs_overlays_trampoline_lowered:
0x8: {  	[smem:$0x3FAE] =	sst s0  }
0x9: {  	[smem:$0x3FAF] =	sst s1  }
0xa: {  	[smem:$0x3FB0] =	sst s2  }
0xb: {  	[smem:$0x3FB1] =	sst s3  }
0xc: {  	[smem:$0x3FB2] =	sst s4  }
0xd: {  	[smem:$0x3FB3] =	sst s5  }
0xe: {  	[smem:$0x3FB4] =	sst s6  }
0xf: {  	[smem:$0x3FB5] =	sst s7  }
0x10: {  	[smem:$0x3FB6] =	sst s8  }
0x11: {  	[smem:$0x3FB7] =	sst s9;
	s0 =	simm.s32 @!p0 $0x0  }
0x12: {  	s1 =	sld [smem:$0x3F9D];
	s0 =	simm.s32 @p0 $0x1  }
0x13: {  	[smem:$0x3FB8] =	sst s0;
	s0 =	simm.s32 @!p1 $0x0  }
0x14: {  	s2 =	sld [smem:$0x3F9C];
	s0 =	simm.s32 @p1 $0x1  }
0x15: {  	[smem:$0x3FB9] =	sst s0;
	s0 =	simm.s32 @!p2 $0x0  }
0x16: {  	s3 =	sld [smem:$0x3FDB];
	s0 =	simm.s32 @p2 $0x1  }
0x17: {  	s4 =	simm.s32 $0x1BF5;
	[smem:$0x3FBB] =	sst s0  }
0x18: {  	s0 =	sld [smem:$0x3F9E];
	_ =	swait.ge [sflag:s4], $0x0  }
0x19: {  	s7 =	sld [smem:$0x3F9F]  }
0x1a: {  	s8 =	sadd.s32 $0xFFFFE003, lr  }
0x1b: {  	s9 =	sadd.s32 $0xFFFFFEF7, lr;
	s5 =	simm.s32 $0xFFFFFFFF;
	p2 =	slt.u32 s8, $0xFFFFF086  }
0x1c: {  	p1 =	slt.u32 s9, $0xF7A;
	s5 =	simm.s32 @!p2 $0x0  }
0x1d: {  	s5 =	simm.s32 @p1 $0x1;
	p0 =	seq.s32 s7, s2  }
0x1e: {  	s7 =	smul.u32 @!p0 $0xF7A, s2;
	p2 =	seq.s32 @!p0 s5, $0x0  }
0x1f: {  	s9 =	smul.u32 $0xF7A, s1;
	s8 =	simm.s32 @!p0 $0x1BF5;
	p2 =	por !p2, p0  }
0x20: {  	[sflag:s8] =	ssyncset.s32 @!p0 $0xFFFFF086;
	s6 =	sadd.s32 @!p0 s3, s7;
	s7 =	simm.s32 @!p0 $0x108  }
0x21: {  	s3 =	sadd.s32 s3, s9;
	s6 =	sadd.s32 @!p0 $0x88, s6;
	s7 =	simm.s32 @p2 $0x1082  }
0x22: {  	[simem:s7], [sflag:s8] =	dma.local @!p0 [hbm:s6], $0xF7A  }
0x23: {  	s9 =	sor.u32 $0xD0000000, s2;
	s6 =	simm.s32 $0x108;
	_ =	swait.ge @!p0 [sflag:s8], $0x0  }
0x24: {  	s3 =	sadd.s32 $0x88, s3;
	s6 =	simm.s32 @!p1 $0x1082;
	[sflag:s4] =	ssyncset.s32 $0xFFFFF086  }
0x25: {  	[simem:s6], [sflag:s4] =	dma.local [hbm:s3], $0xF7A  }
0x26: {  	[smem:$0x3F9F] =	sst s1;
	(tag) =	ssettag s2;
	_ =	strace s9  }
0x27: {  	s1 =	sld [smem:$0x3FAF]  }
0x28: {  	s2 =	sld [smem:$0x3FB0]  }
0x29: {  	s4 =	sld [smem:$0x3FB2]  }
0x2a: {  	p0 =	seq.s32 s5, $0x0;
	s5 =	sld [smem:$0x3FB3]  }
0x2b: {  	s6 =	sld [smem:$0x3FB4]  }
0x2c: {  	s7 =	sld [smem:$0x3FB5]  }
0x2d: {  	s3 =	simm.s32 $0x108;
	s8 =	sld [smem:$0x3FB6]  }
0x2e: {  	s3 =	simm.s32 @!p0 $0x1082;
	s9 =	sld [smem:$0x3FB7]  }
0x2f: {  	lr =	sadd.s32 s0, s3;
	s0 =	sld [smem:$0x3FAE]  }
0x30: {  	s3 =	sld [smem:$0x3FB1]  }
0x31: {  	[smem:$0x3FBA] =	sst s10  }
0x32: {  	s10 =	sld [smem:$0x3FB8];
	_ =	sdelay $0x3  }
0x33: {  	p0 =	seq.s32 s10, $0x1;
	s10 =	sld [smem:$0x3FBA];
	_ =	sdelay $0x3  }
0x34: {  	[smem:$0x3FBA] =	sst s10  }
0x35: {  	s10 =	sld [smem:$0x3FB9];
	_ =	sdelay $0x3  }
0x36: {  	p1 =	seq.s32 s10, $0x1;
	s10 =	sld [smem:$0x3FBA];
	_ =	sdelay $0x3  }
0x37: {  	[smem:$0x3FBA] =	sst s10  }
0x38: {  	s10 =	sld [smem:$0x3FBB]  }
0x39: {  	_ = 	snop;
	(pc) =	sbr.ind lr, $3  }
0x3a: {  	_ = 	snop  }
0x3b: {  	_ = 	snop  }
0x3c: {  	p2 =	seq.s32 s10, $0x1;
	s10 =	sld [smem:$0x3FBA]  }
0x3d: {  	_ =	shalt  }
0x3e: {  	_ =	shalt  }
0x3f: {  	_ =	shalt  }
0x40: {  	_ =	shalt  }
0x41: {  	_ =	shalt  }
0x42: {  	_ =	shalt  }
0x43: {  	_ =	shalt  }
0x44: {  	_ =	shalt  }
0x45: {  	_ =	shalt  }
0x46: {  	_ =	shalt  }
0x47: {  	_ =	shalt  }
0x48: {  	_ =	shalt  }
0x49: {  	_ =	shalt  }
0x4a: {  	_ =	shalt  }
0x4b: {  	_ =	shalt  }
0x4c: {  	_ =	shalt  }
0x4d: {  	_ =	shalt  }
0x4e: {  	_ =	shalt  }
0x4f: {  	_ =	shalt  }
0x50: {  	_ =	shalt  }
0x51: {  	_ =	shalt  }
0x52: {  	_ =	shalt  }
0x53: {  	_ =	shalt  }
0x54: {  	_ =	shalt  }
0x55: {  	_ =	shalt  }
0x56: {  	_ =	shalt  }
0x57: {  	_ =	shalt  }
0x58: {  	_ =	shalt  }
0x59: {  	_ =	shalt  }
0x5a: {  	_ =	shalt  }
0x5b: {  	_ =	shalt  }
0x5c: {  	_ =	shalt  }
0x5d: {  	_ =	shalt  }
0x5e: {  	_ =	shalt  }
0x5f: {  	_ =	shalt  }
0x60: {  	_ =	shalt  }
0x61: {  	_ =	shalt  }
0x62: {  	_ =	shalt  }
0x63: {  	_ =	shalt  }
0x64: {  	_ =	shalt  }
0x65: {  	_ =	shalt  }
0x66: {  	_ =	shalt  }
0x67: {  	_ =	shalt  }
0x68: {  	_ =	shalt  }
0x69: {  	_ =	shalt  }
0x6a: {  	_ =	shalt  }
0x6b: {  	_ =	shalt  }
0x6c: {  	_ =	shalt  }
0x6d: {  	_ =	shalt  }
0x6e: {  	_ =	shalt  }
0x6f: {  	_ =	shalt  }
0x70: {  	_ =	shalt  }
0x71: {  	_ =	shalt  }
0x72: {  	_ =	shalt  }
0x73: {  	_ =	shalt  }
0x74: {  	_ =	shalt  }
0x75: {  	_ =	shalt  }
0x76: {  	_ =	shalt  }
0x77: {  	_ =	shalt  }
0x78: {  	_ =	shalt  }
0x79: {  	_ =	shalt  }
0x7a: {  	_ =	shalt  }
0x7b: {  	_ =	shalt  }
0x7c: {  	_ =	shalt  }
0x7d: {  	_ =	shalt  }
0x7e: {  	_ =	shalt  }
0x7f: {  	_ =	shalt  }
0x80: {  	_ =	shalt  }
0x81: {  	_ =	shalt  }
0x82: {  	_ =	shalt  }
0x83: {  	_ =	shalt  }
0x84: {  	_ =	shalt  }
0x85: {  	_ =	shalt  }
0x86: {  	_ =	shalt  }
0x87: {  	_ =	shalt  }
.Lfunc_end0:
.L_simem_size_0:
called_computation.1_lowered:
.L_overlay_start_0:
0x88: {  	s2 =	sld [smem:$0x3FD9]  }
0x89: {  	s3 =	sld [smem:$0x3FFE];
	_ =	sdelay $0x1  }
0x8a: {  	s1 =	srdreg.scid  }
0x8b: {  	s0 =	sand.u32 $0x1, s1  }
0x8c: {  	s17 =	sshll.u32 s0, $0xA;
	s2 =	sadd.s32 s3, s2  }
0x8d: {  	s2 =	sadd.s32 s2, s17  }
0x8e: {  	[smem:$0x3FC6] =	sst s2  }
0x8f: {  	_ = 	snop  }
0x90: {  	s2 =	sld [smem:$0x3FC9]  }
0x91: {  	s18 =	sld [smem:$0x3FD0];
	(tm) =	ssettm $0x1  }
0x92: {  	s4 =	sld [smem:$0x3FFB];
	_ =	sdelay $0x3  }
0x93: {  	_ =	strace s4  }
0x94: {  	s4 =	sld [smem:$0x3FFC];
	_ =	sdelay $0x3  }
0x95: {  	_ =	strace s4  }
0x96: {  	s4 =	sld [smem:$0x3FFD];
	_ =	sdelay $0x3  }
0x97: {  	_ =	strace s4  }
0x98: {  	_ =	strace $0x8FFFFFFF  }
0x99: {  	s19 =	sld [smem:$0x3FDB];
	_ =	sdelay $0x1  }
0x9a: {  	s5 =	simm.s32 $_scs_section_size  }
0x9b: {  	s6 =	simm.s32 $_size__tile_overlayer_lowered;
	s7 =	simm.s32 $_tile_overlayer_lowered  }
0x9c: {  	s22 =	simm.s32 $0x1BFF;
	s21 =	sshll.u32 s7, $0x1;
	s4 =	sadd.s32 s5, s19  }
0x9d: {  	s8 =	simm.s32 $0x0;
	s20 =	sshll.u32 s6, $0x1;
	s6 =	sadd.s32 s21, s4  }
0x9e: {  	[timem:s8], [sflag:s22] =	dma.local [hbm:s6], s20  }
0x9f: {  	_ =	swait.ge [sflag:s22], s20  }
0xa0: {  	s5 =	ssub.s32 $0x0, s20;
	[sflag:s22] =	ssyncset.done $0x0  }
0xa1: {  	[sflag:s22] =	ssyncadd.s32 s5;
	_ =	sdelay $0x1  }
0xa2: {  	s23 =	simm.s32 $0x1B8B  }
0xa3: {  	_ =	swait.ge [sflag:s23], $0x1  }
0xa4: {  	[sflag:s23] =	ssyncset.done $0x0  }
0xa5: {  	s25 =	simm.s32 $0x1B8E;
	s24 =	sld [smem:$0x3FFE];
	[sflag:s23] =	ssyncadd.s32 $0xFFFFFFFF  }
0xa6: {  	s26 =	simm.s32 $execute0_lowered;
	[smem:$0x3FD2] =	sst s25  }
0xa7: {  	s6 =	sshll.u32 s26, $0x1;
	_ =	strace $0x80000046;
	[dreg:$0x1] =	wrdreg $0xFFFFFFFF  }
0xa8: {  	s28 =	simm.s32 $_size_execute0_lowered;
	s4 =	sadd.s32 s4, s6;
	[dreg:$0x0] =	wrdreg $0x0  }
0xa9: {  	s6 =	sshll.u32 s28, $0x1;
	[dreg:$0x2] =	wrdreg s4  }
0xaa: {  	[dreg:$0x3] =	wrdreg s6  }
0xab: {  	[dreg:$0x4] =	wrdreg $0xC0  }
0xac: {  	_ =	task [dreg:s8], $0x5FFFF  }
0xad: {  	[dreg:$0x1] =	wrdreg $0xFFFFFFFF  }
0xae: {  	[dreg:$0x0] =	wrdreg $0x60  }
0xaf: {  	[dreg:$0x2] =	wrdreg s2  }
0xb0: {  	[dreg:$0x3] =	wrdreg s24  }
0xb1: {  	[dreg:$0x4] =	wrdreg s18  }
0xb2: {  	[dreg:$0x5] =	wrdreg $0x9  }
0xb3: {  	_ =	task.clear_ibuf [dreg:s8], $0x6FFFF;
	_ =	strace $0x90000046  }
0xb4: {  	s29 =	simm.s32 $0x9;
	_ =	strace $0x80000048  }
0xb5: {  	_ =	swait.ge [sflag:s29], $0x1  }
0xb6: {  	[sflag:s29] =	ssyncadd.s32 $0xFFFFFFFF  }
0xb7: {  	_ =	strace $0x90000048  }
0xb8: {  	_ =	sfence  }
0xb9: {  	s30 =	sld [smem:$0x0];
	_ =	sdelay $0x2  }
0xba: {  	s31 =	sshll.u32 s1, $0xD;
	s1 =	sshrl.u32 s1, $0x2  }
0xbb: {  	s3 =	sand.u32 $0x4000, s31;
	s1 =	sadd.s32 s1, s30  }
0xbc: {  	s0 =	sor.u32 s3, s0;
	s1 =	sshll.u32 s1, $0x11  }
0xbd: {  	s0 =	sor.u32 s1, s0  }
0xbe: {  	s0 =	sadd.s32 $0x8F2B, s0  }
0xbf: {  	[sflag:s0] =	ssyncadd.remote.s32 $0x1  }
0xc0: {  	_ =	sfence.sel $0xFFFF  }
0xc1: {  	[dreg:$0x0] =	wrdreg $0xFFFFFFFF;
	(pc) =	sbr.abs _section_cstart, $3  }
0xc2: {  	[dreg:$0x1] =	wrdreg $0xFFFFFFFF  }
0xc3: {  	_ =	task.clear_ibuf [dreg:s8], $0x2FFFF;
	_ =	strace $0x9FFFFFFF  }
0xc4: {  	(tm) =	ssettm $0x7FFFFFFF  }
0xc5: {  	_ =	shalt  }
tec
execute0_lowered:
.L_overlay_start_1:
0x0: {  	(tag) =	ssettag $0x1  }
0x1: {  	s0 =	rddreg [dreg:$0x0]  }
0x2: {  	s2 =	rddreg [dreg:$0x1]  }
0x3: {  	s1 =	rddreg [dreg:$0x2]  }
0x4: {  	s3 =	simm.s32 $0x0;
	s4 =	srdreg.scid;
	s11 =	stileid.u32  }
0x5: {  	s31 =	simm.s32 $0x3400;
	s13 =	simm.s32 $0x1;
	s15 =	simm.s32 $0x2  }
0x6: {  	s17 =	simm.s32 $0x3;
	[smem:$0x7FF] =	sst s3;
	s6 =	smul.u32 $0xD0, s11  }
0x7: {  	s5 =	sand.u32 $0x1, s4;
	s18 =	sshll.u32 s11, $0x1;
	s21 =	smul.u32 $0x34000, s11  }
0x8: {  	s4 =	sadd.s32 $0xF42C00, s2;
	s11 =	simm.s32 $0x80;
	s9 =	smul.u32 $0x68, s5  }
0x9: {  	s7 =	ssub.s32 $0x2, s5;
	s8 =	sor.u32 s5, s18;
	s5 =	smul.u32 $0x1A000, s5  }
0xa: {  	_ =	strace $0x80000047;
	[dreg:$0x9] =	wrdreg s31;
	s10 =	smul.u32 $0x68, s8  }
0xb: {  	s18 =	simm.s32 $0x11400;
	s19 =	sshrl.u32 s7, $0x1;
	s20 =	smul.u32 $0x680, s8  }
0xc: {  	s8 =	smul.u32 $0xD0000, s8;
	s2 =	ssub.s32 s7, s19;
	s6 =	sadd.s32 s9, s6  }
0xd: {  	s16 =	sadd.s32 s5, s21;
	s19 =	simm.s32 $0x4;
	s21 =	simm.s32 $0x5  }
0xe: {  	[dreg:$0x4] =	wrdreg s10;
	s6 =	sshll.u32 s6, $0xA;
	s0 =	sadd.s32 s0, s20  }
0xf: {  	s22 =	sshrl.u32 s8, $0x3;
	s30 =	smax.u32 s2, $0x1;
	[dreg:$0xa] =	wrdreg s0  }
0x10: {  	s29 =	sadd.s32 s1, s16;
	s14 =	sadd.s32 s6, s1;
	[dreg:$0xc] =	wrdreg s30  }
0x11: {  	s20 =	simm.s32 $0xD400;
	[dreg:$0x8] =	wrdreg s29;
	s23 =	sadd.s32 $0x1800, s14  }
0x12: {  	s24 =	sadd.s32 s1, s22;
	s25 =	sadd.s32 $0x1000, s14;
	[dreg:$0x5] =	wrdreg s23  }
0x13: {  	s2 =	simm.s32 $0x0;
	s28 =	sadd.s32 $0x19C00, s24;
	[dreg:$0x6] =	wrdreg s25  }
0x14: {  	s22 =	simm.s32 $0xF400;
	s26 =	sadd.s32 $0x800, s14;
	[dreg:$0xb] =	wrdreg s28  }
0x15: {  	[dreg:$0x7] =	wrdreg s26;
	s23 =	simm.s32 $0x6;
	s25 =	simm.s32 $0x7  }
.LBB2_1:
0x16: {  	[dreg:$0xd] =	wrdreg s2  }
0x17: {  	s0 =	rddreg [dreg:$0xa];
	s26 =	simm.s32 $0x11  }
0x18: {  	[tilespmem:s3], [sflag:$0x11] =	stream.linear.gather [hbm4b:s0+s3], $0x3400, $0x38;
	[tilespmem:$0x13400] =	vst v63  }
0x19: {  	p1 =	por $0x0, $0x0;
	_ =	swait.ge [sflag:s26], $0x3400  }
0x1a: {  	p0 =	por p1, p1;
	[sflag:s26] =	ssyncset.done $0x0  }
0x1b: {  	s0 =	sadd.s32 @p1 $0x0, s16;
	s2 =	simm.s32 @p0 $0x9;
	[sflag:s26] =	ssyncadd.s32 $0xFFFFCC00  }
0x1c: {  	s0 =	sadd.s32 @p1 $0x1FFFFC00, s0;
	_ =	swait.ge @p0 [sflag:s2], $0x2000  }
0x1d: {  	s5 =	simm.s32 @p0 $0x3400;
	s8 =	simm.s32 @p0 $0x8;
	[sflag:s2] =	ssyncset.done @p0 $0x0  }
0x1e: {  	s9 =	simm.s32 @p0 $0x80;
	[sflag:s2] =	ssyncadd.s32 @p0 $0xFFFFE000;
	s2 =	simm.s32 @p0 $0x0  }
0x1f: {  	[tilespmem:s5], [sflag:$0x1] =	stream.indirect.gather @p0 [hbm4b:s4+s9], $0x40, s2, s9, $0xb8;
	[tilespmem:$0x13400] =	vst v63  }
0x20: {  	s0 =	sand.u32 @p1 $0x1FFFFC00, s0;
	s2 =	simm.s32 @p0 $0xA;
	_ =	swait.ge @p0 [sflag:s8], $0x2000  }
0x21: {  	s5 =	simm.s32 @p0 $0x11400;
	s1 =	rddreg [dreg:$0x2];
	[sflag:s8] =	ssyncset.done @p0 $0x0  }
0x22: {  	s0 =	sadd.s32 @p1 s1, s0;
	[sflag:s8] =	ssyncadd.s32 @p0 $0xFFFFE000;
	s8 =	simm.s32 @p0 $0x0  }
0x23: {  	[hbm4b:s0+s8] =	stream.linear.scatter @p0 [tilespmem:s5], [sflag:$0x10], $0x2000, $0x38;
	[tilespmem:$0x13400] =	vst v63  }
0x24: {  	s0 =	simm.s32 @!p0 $0x0;
	s5 =	simm.s32 $0x1;
	_ =	swait.ge @p0 [sflag:s2], $0x2000  }
0x25: {  	s8 =	simm.s32 @!p0 $0x3400;
	s5 =	simm.s32 @!p0 $0x1;
	[sflag:s2] =	ssyncset.done @p0 $0x0  }
0x26: {  	s29 =	sshll.u32 s5, $0x7;
	[sflag:s2] =	ssyncadd.s32 @p0 $0xFFFFE000;
	s2 =	simm.s32 @!p0 $0x80  }
0x27: {  	[tilespmem:s8], [sflag:$0x1] =	stream.indirect.gather @!p0 [hbm4b:s4+s2], $0x40, s0, s2, $0xb8;
	[tilespmem:$0x13400] =	vst v63  }
0x28: {  	s7 =	simm.s32 $0x5400;
	s6 =	sand.u32 $0x3FFFFF80, s29  }
0x29: {  	[tilespmem:s7], [sflag:$0x2] =	stream.indirect.gather [hbm4b:s4+s11], $0x40, s6, s11, $0xb8;
	[tilespmem:$0x13400] =	vst v63  }
0x2a: {  	_ =	swait.ge [sflag:s13], $0x2000  }
0x2b: {  	p0 =	por $0x1, $0x1;
	s8 =	rddreg [dreg:$0x8];
	[sflag:s13] =	ssyncset.done $0x0  }
0x2c: {  	s9 =	rddreg [dreg:$0x9];
	[sflag:s13] =	ssyncadd.s32 $0xFFFFE000;
	s0 =	sadd.s32 $0x0, s8  }
0x2d: {  	[hbm4b:s0+s3] =	stream.linear.scatter [tilespmem:s9], [sflag:$0x9], $0x2000, $0x38;
	[tilespmem:$0x13400] =	vst v63  }
0x2e: {  	s0 =	simm.s32 @!p0 $0xB  }
0x2f: {  	_ =	swait.ge @!p0 [sflag:s0], $0x2000  }
0x30: {  	[sflag:s0] =	ssyncset.done @!p0 $0x0  }
0x31: {  	s10 =	simm.s32 $0x100;
	s12 =	simm.s32 $0x7400;
	[sflag:s0] =	ssyncadd.s32 @!p0 $0xFFFFE000  }
0x32: {  	[tilespmem:s12], [sflag:$0x3] =	stream.indirect.gather [hbm4b:s4+s11], $0x40, s10, s11, $0xb8;
	[tilespmem:$0x13400] =	vst v63  }
0x33: {  	_ =	swait.ge [sflag:s15], $0x2000  }
0x34: {  	s24 =	rddreg [dreg:$0x4]  }
0x35: {  	s0 =	sadd.s32 s24, s5  }
0x36: {  	s0 =	sshll.u32 s0, $0xA  }
0x37: {  	[sflag:s15] =	ssyncset.done $0x0;
	s0 =	sand.u32 $0x1FFFE400, s0  }
0x38: {  	s2 =	simm.s32 @!p0 $0xC;
	[sflag:s15] =	ssyncadd.s32 $0xFFFFE000;
	s0 =	sadd.s32 s1, s0  }
0x39: {  	[hbm4b:s0+s3] =	stream.linear.scatter [tilespmem:s7], [sflag:$0xA], $0x2000, $0x38;
	[tilespmem:$0x13400] =	vst v63  }
0x3a: {  	_ =	swait.ge @!p0 [sflag:s2], $0x2000  }
0x3b: {  	[sflag:s2] =	ssyncset.done @!p0 $0x0  }
0x3c: {  	s26 =	simm.s32 $0x180;
	s29 =	simm.s32 $0x9400;
	[sflag:s2] =	ssyncadd.s32 @!p0 $0xFFFFE000  }
0x3d: {  	[tilespmem:s29], [sflag:$0x4] =	stream.indirect.gather [hbm4b:s4+s11], $0x40, s26, s11, $0xb8;
	[tilespmem:$0x13400] =	vst v63  }
0x3e: {  	_ =	swait.ge [sflag:s17], $0x2000  }
0x3f: {  	s2 =	rddreg [dreg:$0x7];
	[sflag:s17] =	ssyncset.done $0x0  }
0x40: {  	[sflag:s17] =	ssyncadd.s32 $0xFFFFE000;
	s0 =	sadd.s32 $0x0, s2;
	s2 =	simm.s32 @!p0 $0xD  }
0x41: {  	[hbm4b:s0+s3] =	stream.linear.scatter [tilespmem:s12], [sflag:$0xB], $0x2000, $0x38;
	[tilespmem:$0x13400] =	vst v63  }
0x42: {  	_ =	swait.ge @!p0 [sflag:s2], $0x2000  }
0x43: {  	[sflag:s2] =	ssyncset.done @!p0 $0x0  }
0x44: {  	s6 =	simm.s32 $0xB400;
	s5 =	simm.s32 $0x200;
	[sflag:s2] =	ssyncadd.s32 @!p0 $0xFFFFE000  }
0x45: {  	[tilespmem:s6], [sflag:$0x5] =	stream.indirect.gather [hbm4b:s4+s11], $0x40, s5, s11, $0xb8;
	[tilespmem:$0x13400] =	vst v63  }
0x46: {  	_ =	swait.ge [sflag:s19], $0x2000  }
0x47: {  	s9 =	sadd.s32 $0x0, s14;
	[sflag:s19] =	ssyncset.done $0x0  }
0x48: {  	s10 =	sadd.s32 $0xC00, s9;
	s5 =	simm.s32 @!p0 $0xE;
	[sflag:s19] =	ssyncadd.s32 $0xFFFFE000  }
0x49: {  	[hbm4b:s10+s3] =	stream.linear.scatter [tilespmem:s29], [sflag:$0xC], $0x2000, $0x38;
	[tilespmem:$0x13400] =	vst v63  }
0x4a: {  	_ =	swait.ge @!p0 [sflag:s5], $0x2000  }
0x4b: {  	[sflag:s5] =	ssyncset.done @!p0 $0x0  }
0x4c: {  	s12 =	simm.s32 $0x280;
	[sflag:s5] =	ssyncadd.s32 @!p0 $0xFFFFE000  }
0x4d: {  	[tilespmem:s20], [sflag:$0x6] =	stream.indirect.gather [hbm4b:s4+s11], $0x40, s12, s11, $0xb8;
	[tilespmem:$0x13400] =	vst v63  }
0x4e: {  	_ =	swait.ge [sflag:s21], $0x2000  }
0x4f: {  	s24 =	rddreg [dreg:$0x6];
	[sflag:s21] =	ssyncset.done $0x0  }
0x50: {  	s5 =	simm.s32 @!p0 $0xF;
	[sflag:s21] =	ssyncadd.s32 $0xFFFFE000;
	s2 =	sadd.s32 $0x0, s24  }
0x51: {  	[hbm4b:s2+s3] =	stream.linear.scatter [tilespmem:s6], [sflag:$0xD], $0x2000, $0x38;
	[tilespmem:$0x13400] =	vst v63  }
0x52: {  	_ =	swait.ge @!p0 [sflag:s5], $0x2000  }
0x53: {  	[sflag:s5] =	ssyncset.done @!p0 $0x0  }
0x54: {  	s26 =	simm.s32 $0x300;
	[sflag:s5] =	ssyncadd.s32 @!p0 $0xFFFFE000  }
0x55: {  	[tilespmem:s22], [sflag:$0x7] =	stream.indirect.gather [hbm4b:s4+s11], $0x40, s26, s11, $0xb8;
	[tilespmem:$0x13400] =	vst v63  }
0x56: {  	s28 =	simm.s32 $0x1000;
	_ =	swait.ge [sflag:s23], $0x2000  }
0x57: {  	s30 =	simm.s32 $0x2000;
	p1 =	por $0x1, $0x1;
	[sflag:s23] =	ssyncset.done $0x0  }
0x58: {  	s0 =	sadd.s32 $0x1400, s9;
	s2 =	simm.s32 @!p0 $0x10;
	[sflag:s23] =	ssyncadd.s32 $0xFFFFE000  }
0x59: {  	[hbm4b:s0+s3] =	stream.linear.scatter [tilespmem:s20], [sflag:$0xE], $0x2000, $0x38;
	[tilespmem:$0x13400] =	vst v63  }
0x5a: {  	s7 =	simm.s32 $0x9;
	s0 =	sadd.s32 @p1 $0x2000, s16;
	_ =	swait.ge @!p0 [sflag:s2], $0x2000  }
0x5b: {  	s10 =	simm.s32 $0x2000;
	s0 =	sadd.s32 @p1 $0x1FFFFC00, s0;
	[sflag:s2] =	ssyncset.done @!p0 $0x0  }
0x5c: {  	s29 =	simm.s32 $0x380;
	s0 =	sand.u32 @p1 $0x1FFFFC00, s0;
	[sflag:s2] =	ssyncadd.s32 @!p0 $0xFFFFE000  }
0x5d: {  	[tilespmem:s18], [sflag:$0x8] =	stream.indirect.gather [hbm4b:s4+s11], $0x40, s29, s11, $0xb8;
	[tilespmem:$0x13400] =	vst v63  }
0x5e: {  	s26 =	sadd.s32 $0x2000, s14;
	s31 =	sadd.s32 @p1 s1, s0;
	_ =	swait.ge [sflag:s25], $0x2000  }
0x5f: {  	p0 =	por p1, p1;
	s0 =	simm.s32 $0x4000;
	[sflag:s25] =	ssyncset.done $0x0  }
0x60: {  	s2 =	simm.s32 $0x0;
	s5 =	rddreg [dreg:$0x5];
	[sflag:s25] =	ssyncadd.s32 $0xFFFFE000  }
.LBB2_2:
0x61: {  	p2 =	sne.s32 s30, $0x0;
	s8 =	simm.s32 @p0 $0x9;
	s5 =	sadd.s32 s2, s5  }
0x62: {  	[hbm4b:s5+s3] =	stream.linear.scatter [tilespmem:s22], [sflag:$0xF], $0x2000, $0x38;
	[tilespmem:$0x13400] =	vst v63  }
0x63: {  	s24 =	simm.s32 @p0 $0x3400;
	s1 =	simm.s32 @p0 $0x8;
	_ =	swait.ge @p0 [sflag:s8], $0x2000  }
0x64: {  	s6 =	simm.s32 @p0 $0x80;
	s5 =	sadd.s32 @p2 s0, s16;
	[sflag:s8] =	ssyncset.done @p0 $0x0  }
0x65: {  	s5 =	sadd.s32 @p2 $0x1FFFFC00, s5;
	[sflag:s8] =	ssyncadd.s32 @p0 $0xFFFFE000;
	s8 =	sshra.s32 @p0 s28, $0x2  }
0x66: {  	[tilespmem:s24], [sflag:$0x1] =	stream.indirect.gather @p0 [hbm4b:s4+s6], $0x40, s8, s6, $0xb8;
	[tilespmem:$0x13400] =	vst v63  }
0x67: {  	s29 =	smov.u32 s7;
	s5 =	sand.u32 @p2 $0x1FFFFC00, s5;
	_ =	swait.ge @p0 [sflag:s1], $0x2000  }
0x68: {  	s6 =	simm.s32 @p0 $0xA;
	s8 =	simm.s32 @p0 $0x11400;
	[sflag:s1] =	ssyncset.done @p0 $0x0  }
0x69: {  	s12 =	rddreg [dreg:$0x2];
	[sflag:s1] =	ssyncadd.s32 @p0 $0xFFFFE000;
	s1 =	simm.s32 @p0 $0x0  }
0x6a: {  	[hbm4b:s31+s1] =	stream.linear.scatter @p0 [tilespmem:s8], [sflag:$0x10], $0x2000, $0x38;
	[tilespmem:$0x13400] =	vst v63  }
0x6b: {  	s29 =	simm.s32 @!p0 $0x1;
	s24 =	sadd.s32 @p2 s12, s5;
	_ =	swait.ge @p0 [sflag:s6], $0x2000  }
0x6c: {  	s1 =	simm.s32 @!p0 $0x0;
	s8 =	simm.s32 @!p0 $0x3400;
	[sflag:s6] =	ssyncset.done @p0 $0x0  }
0x6d: {  	s31 =	sshll.u32 s29, $0x7;
	[sflag:s6] =	ssyncadd.s32 @p0 $0xFFFFE000;
	s6 =	simm.s32 @!p0 $0x80  }
0x6e: {  	[tilespmem:s8], [sflag:$0x1] =	stream.indirect.gather @!p0 [hbm4b:s4+s6], $0x40, s1, s6, $0xb8;
	[tilespmem:$0x13400] =	vst v63  }
0x6f: {  	s8 =	sand.u32 $0x3FFFFF80, s31;
	s31 =	smov.u32 s24;
	s24 =	simm.s32 $0x5400  }
0x70: {  	[tilespmem:s24], [sflag:$0x2] =	stream.indirect.gather [hbm4b:s4+s11], $0x40, s8, s11, $0xb8;
	[tilespmem:$0x13400] =	vst v63  }
0x71: {  	s2 =	smov.u32 s10;
	p0 =	por p2, p2;
	_ =	swait.ge [sflag:s13], $0x2000  }
0x72: {  	p2 =	seq.s32 s28, $0x0;
	s6 =	rddreg [dreg:$0x8];
	[sflag:s13] =	ssyncset.done $0x0  }
0x73: {  	s8 =	rddreg [dreg:$0x9];
	[sflag:s13] =	ssyncadd.s32 $0xFFFFE000;
	s1 =	sadd.s32 s2, s6  }
0x74: {  	[hbm4b:s1+s3] =	stream.linear.scatter [tilespmem:s8], [sflag:$0x9], $0x2000, $0x38;
	[tilespmem:$0x13400] =	vst v63  }
0x75: {  	s1 =	simm.s32 @!p2 $0xB  }
0x76: {  	s9 =	smov.u32 s30;
	_ =	swait.ge @!p2 [sflag:s1], $0x2000  }
0x77: {  	s8 =	sshra.s32 s28, $0x2;
	s28 =	smov.u32 s9;
	[sflag:s1] =	ssyncset.done @!p2 $0x0  }
0x78: {  	s9 =	simm.s32 $0x7400;
	s6 =	sadd.s32 $0x100, s8;
	[sflag:s1] =	ssyncadd.s32 @!p2 $0xFFFFE000  }
0x79: {  	[tilespmem:s9], [sflag:$0x3] =	stream.indirect.gather [hbm4b:s4+s11], $0x40, s6, s11, $0xb8;
	[tilespmem:$0x13400] =	vst v63  }
0x7a: {  	_ =	swait.ge [sflag:s15], $0x2000  }
0x7b: {  	s6 =	rddreg [dreg:$0x4]  }
0x7c: {  	s1 =	sadd.s32 s6, s29  }
0x7d: {  	s1 =	sshll.u32 s1, $0xA  }
0x7e: {  	[sflag:s15] =	ssyncset.done $0x0;
	s1 =	sand.u32 $0x1FFFE400, s1  }
0x7f: {  	[sflag:s15] =	ssyncadd.s32 $0xFFFFE000;
	s6 =	simm.s32 @!p2 $0xC;
	s1 =	sadd.s32 s12, s1  }
0x80: {  	[hbm4b:s1+s3] =	stream.linear.scatter [tilespmem:s24], [sflag:$0xA], $0x2000, $0x38;
	[tilespmem:$0x13400] =	vst v63  }
0x81: {  	_ =	swait.ge @!p2 [sflag:s6], $0x2000  }
0x82: {  	[sflag:s6] =	ssyncset.done @!p2 $0x0  }
0x83: {  	s29 =	sadd.s32 $0x180, s8;
	s12 =	simm.s32 $0x9400;
	[sflag:s6] =	ssyncadd.s32 @!p2 $0xFFFFE000  }
0x84: {  	[tilespmem:s12], [sflag:$0x4] =	stream.indirect.gather [hbm4b:s4+s11], $0x40, s29, s11, $0xb8;
	[tilespmem:$0x13400] =	vst v63  }
0x85: {  	_ =	swait.ge [sflag:s17], $0x2000  }
0x86: {  	s24 =	rddreg [dreg:$0x7];
	[sflag:s17] =	ssyncset.done $0x0  }
0x87: {  	s6 =	simm.s32 @!p2 $0xD;
	[sflag:s17] =	ssyncadd.s32 $0xFFFFE000;
	s1 =	sadd.s32 s2, s24  }
0x88: {  	[hbm4b:s1+s3] =	stream.linear.scatter [tilespmem:s9], [sflag:$0xB], $0x2000, $0x38;
	[tilespmem:$0x13400] =	vst v63  }
0x89: {  	_ =	swait.ge @!p2 [sflag:s6], $0x2000  }
0x8a: {  	[sflag:s6] =	ssyncset.done @!p2 $0x0  }
0x8b: {  	s29 =	sadd.s32 $0x200, s8;
	s9 =	simm.s32 $0xB400;
	[sflag:s6] =	ssyncadd.s32 @!p2 $0xFFFFE000  }
0x8c: {  	[tilespmem:s9], [sflag:$0x5] =	stream.indirect.gather [hbm4b:s4+s11], $0x40, s29, s11, $0xb8;
	[tilespmem:$0x13400] =	vst v63  }
0x8d: {  	_ =	swait.ge [sflag:s19], $0x2000  }
0x8e: {  	[sflag:s19] =	ssyncset.done $0x0  }
0x8f: {  	s24 =	sadd.s32 $0xC00, s26;
	s6 =	simm.s32 @!p2 $0xE;
	[sflag:s19] =	ssyncadd.s32 $0xFFFFE000  }
0x90: {  	[hbm4b:s24+s3] =	stream.linear.scatter [tilespmem:s12], [sflag:$0xC], $0x2000, $0x38;
	[tilespmem:$0x13400] =	vst v63  }
0x91: {  	_ =	swait.ge @!p2 [sflag:s6], $0x2000  }
0x92: {  	[sflag:s6] =	ssyncset.done @!p2 $0x0  }
0x93: {  	s29 =	sadd.s32 $0x280, s8;
	[sflag:s6] =	ssyncadd.s32 @!p2 $0xFFFFE000  }
0x94: {  	[tilespmem:s20], [sflag:$0x6] =	stream.indirect.gather [hbm4b:s4+s11], $0x40, s29, s11, $0xb8;
	[tilespmem:$0x13400] =	vst v63  }
0x95: {  	_ =	swait.ge [sflag:s21], $0x2000  }
0x96: {  	s6 =	rddreg [dreg:$0x6];
	[sflag:s21] =	ssyncset.done $0x0  }
0x97: {  	[sflag:s21] =	ssyncadd.s32 $0xFFFFE000;
	s1 =	sadd.s32 s2, s6;
	s6 =	simm.s32 @!p2 $0xF  }
0x98: {  	[hbm4b:s1+s3] =	stream.linear.scatter [tilespmem:s9], [sflag:$0xD], $0x2000, $0x38;
	[tilespmem:$0x13400] =	vst v63  }
0x99: {  	_ =	swait.ge @!p2 [sflag:s6], $0x2000  }
0x9a: {  	[sflag:s6] =	ssyncset.done @!p2 $0x0  }
0x9b: {  	s12 =	sadd.s32 $0x300, s8;
	[sflag:s6] =	ssyncadd.s32 @!p2 $0xFFFFE000  }
0x9c: {  	[tilespmem:s22], [sflag:$0x7] =	stream.indirect.gather [hbm4b:s4+s11], $0x40, s12, s11, $0xb8;
	[tilespmem:$0x13400] =	vst v63  }
0x9d: {  	_ =	swait.ge [sflag:s23], $0x2000  }
0x9e: {  	s5 =	sadd.s32 s0, s14;
	s24 =	sadd.s32 $0x1400, s26;
	[sflag:s23] =	ssyncset.done $0x0  }
0x9f: {  	s26 =	smov.u32 s5;
	s5 =	simm.s32 @!p2 $0x10;
	[sflag:s23] =	ssyncadd.s32 $0xFFFFE000  }
0xa0: {  	[hbm4b:s24+s3] =	stream.linear.scatter [tilespmem:s20], [sflag:$0xE], $0x2000, $0x38;
	[tilespmem:$0x13400] =	vst v63  }
0xa1: {  	s30 =	sadd.s32 $0x1000, s30;
	_ =	swait.ge @!p2 [sflag:s5], $0x2000  }
0xa2: {  	p1 =	sne.s32 s30, $0xD000;
	[sflag:s5] =	ssyncset.done @!p2 $0x0  }
.Ltmp0:
0xa3: {  	s29 =	sadd.s32 $0x380, s8;
	[sflag:s5] =	ssyncadd.s32 @!p2 $0xFFFFE000;
	(pc) =	sbr.rel @p1 .LBB2_2-.Ltmp0, $4  }
0xa4: {  	[tilespmem:s18], [sflag:$0x8] =	stream.indirect.gather [hbm4b:s4+s11], $0x40, s29, s11, $0xb8;
	[tilespmem:$0x13400] =	vst v63  }
0xa5: {  	_ =	swait.ge [sflag:s25], $0x2000  }
0xa6: {  	s10 =	smov.u32 s0;
	s7 =	sadd.s32 $0x8, s7;
	[sflag:s25] =	ssyncset.done $0x0  }
0xa7: {  	s0 =	sadd.s32 $0x2000, s0;
	s5 =	rddreg [dreg:$0x5];
	[sflag:s25] =	ssyncadd.s32 $0xFFFFE000  }
0xa8: {  	s0 =	simm.s32 @p0 $0x9;
	s1 =	sadd.s32 s2, s5  }
0xa9: {  	[hbm4b:s1+s3] =	stream.linear.scatter [tilespmem:s22], [sflag:$0xF], $0x2000, $0x38;
	[tilespmem:$0x13400] =	vst v63  }
0xaa: {  	_ =	swait.ge @p0 [sflag:s0], $0x2000  }
0xab: {  	s2 =	simm.s32 @p0 $0x80;
	[sflag:s0] =	ssyncset.done @p0 $0x0  }
0xac: {  	s1 =	simm.s32 @p0 $0x3400;
	[sflag:s0] =	ssyncadd.s32 @p0 $0xFFFFE000;
	s0 =	sshra.s32 @p0 s28, $0x2  }
0xad: {  	[tilespmem:s1], [sflag:$0x1] =	stream.indirect.gather @p0 [hbm4b:s4+s2], $0x40, s0, s2, $0xb8;
	[tilespmem:$0x13400] =	vst v63  }
0xae: {  	s0 =	simm.s32 @p0 $0x8  }
0xaf: {  	_ =	swait.ge @p0 [sflag:s0], $0x2000  }
0xb0: {  	[sflag:s0] =	ssyncset.done @p0 $0x0  }
0xb1: {  	s1 =	simm.s32 @p0 $0x11400;
	[sflag:s0] =	ssyncadd.s32 @p0 $0xFFFFE000;
	s0 =	simm.s32 @p0 $0x0  }
0xb2: {  	[hbm4b:s31+s0] =	stream.linear.scatter @p0 [tilespmem:s1], [sflag:$0x10], $0x2000, $0x38;
	[tilespmem:$0x13400] =	vst v63  }
0xb3: {  	s0 =	simm.s32 @p0 $0xA  }
0xb4: {  	s7 =	simm.s32 @!p0 $0x1;
	_ =	swait.ge @p0 [sflag:s0], $0x2000  }
0xb5: {  	s9 =	sshll.u32 s7, $0x7;
	s2 =	simm.s32 @!p0 $0x3400;
	[sflag:s0] =	ssyncset.done @p0 $0x0  }
0xb6: {  	s1 =	simm.s32 @!p0 $0x0;
	[sflag:s0] =	ssyncadd.s32 @p0 $0xFFFFE000;
	s0 =	simm.s32 @!p0 $0x80  }
0xb7: {  	[tilespmem:s2], [sflag:$0x1] =	stream.indirect.gather @!p0 [hbm4b:s4+s0], $0x40, s1, s0, $0xb8;
	[tilespmem:$0x13400] =	vst v63  }
0xb8: {  	s12 =	simm.s32 $0x5400;
	s0 =	sand.u32 $0x3FFFFF80, s9  }
0xb9: {  	[tilespmem:s12], [sflag:$0x2] =	stream.indirect.gather [hbm4b:s4+s11], $0x40, s0, s11, $0xb8;
	[tilespmem:$0x13400] =	vst v63  }
0xba: {  	p0 =	seq.s32 s28, $0x0;
	_ =	swait.ge [sflag:s13], $0x2000  }
0xbb: {  	s1 =	simm.s32 @!p0 $0xB;
	s18 =	rddreg [dreg:$0x8];
	[sflag:s13] =	ssyncset.done $0x0  }
0xbc: {  	s24 =	rddreg [dreg:$0x9];
	[sflag:s13] =	ssyncadd.s32 $0xFFFFE000;
	s0 =	sadd.s32 s10, s18  }
0xbd: {  	[hbm4b:s0+s3] =	stream.linear.scatter [tilespmem:s24], [sflag:$0x9], $0x2000, $0x38;
	[tilespmem:$0x13400] =	vst v63  }
0xbe: {  	_ =	swait.ge @!p0 [sflag:s1], $0x2000  }
0xbf: {  	s0 =	sshra.s32 s28, $0x2;
	[sflag:s1] =	ssyncset.done @!p0 $0x0  }
0xc0: {  	s8 =	simm.s32 $0x7400;
	s29 =	sadd.s32 $0x100, s0;
	[sflag:s1] =	ssyncadd.s32 @!p0 $0xFFFFE000  }
0xc1: {  	[tilespmem:s8], [sflag:$0x3] =	stream.indirect.gather [hbm4b:s4+s11], $0x40, s29, s11, $0xb8;
	[tilespmem:$0x13400] =	vst v63  }
0xc2: {  	_ =	swait.ge [sflag:s15], $0x2000  }
0xc3: {  	s30 =	rddreg [dreg:$0x4]  }
0xc4: {  	[sflag:s15] =	ssyncset.done $0x0;
	s1 =	sadd.s32 s30, s7  }
0xc5: {  	[sflag:s15] =	ssyncadd.s32 $0xFFFFE000;
	s1 =	sshll.u32 s1, $0xA  }
0xc6: {  	s31 =	rddreg [dreg:$0x2];
	s1 =	sand.u32 $0x1FFFE400, s1  }
0xc7: {  	s1 =	sadd.s32 s31, s1  }
0xc8: {  	[hbm4b:s1+s3] =	stream.linear.scatter [tilespmem:s12], [sflag:$0xA], $0x2000, $0x38;
	[tilespmem:$0x13400] =	vst v63  }
0xc9: {  	s1 =	simm.s32 @!p0 $0xC  }
0xca: {  	_ =	swait.ge @!p0 [sflag:s1], $0x2000  }
0xcb: {  	[sflag:s1] =	ssyncset.done @!p0 $0x0  }
0xcc: {  	s6 =	sadd.s32 $0x180, s0;
	s7 =	simm.s32 $0x9400;
	[sflag:s1] =	ssyncadd.s32 @!p0 $0xFFFFE000  }
0xcd: {  	[tilespmem:s7], [sflag:$0x4] =	stream.indirect.gather [hbm4b:s4+s11], $0x40, s6, s11, $0xb8;
	[tilespmem:$0x13400] =	vst v63  }
0xce: {  	_ =	swait.ge [sflag:s17], $0x2000  }
0xcf: {  	s9 =	rddreg [dreg:$0x7];
	[sflag:s17] =	ssyncset.done $0x0  }
0xd0: {  	[sflag:s17] =	ssyncadd.s32 $0xFFFFE000;
	s1 =	sadd.s32 s10, s9  }
0xd1: {  	[hbm4b:s1+s3] =	stream.linear.scatter [tilespmem:s8], [sflag:$0xB], $0x2000, $0x38;
	[tilespmem:$0x13400] =	vst v63  }
0xd2: {  	s1 =	simm.s32 @!p0 $0xD  }
0xd3: {  	_ =	swait.ge @!p0 [sflag:s1], $0x2000  }
0xd4: {  	[sflag:s1] =	ssyncset.done @!p0 $0x0  }
0xd5: {  	s18 =	simm.s32 $0xB400;
	s12 =	sadd.s32 $0x200, s0;
	[sflag:s1] =	ssyncadd.s32 @!p0 $0xFFFFE000  }
0xd6: {  	[tilespmem:s18], [sflag:$0x5] =	stream.indirect.gather [hbm4b:s4+s11], $0x40, s12, s11, $0xb8;
	[tilespmem:$0x13400] =	vst v63  }
0xd7: {  	_ =	swait.ge [sflag:s19], $0x2000  }
0xd8: {  	[sflag:s19] =	ssyncset.done $0x0  }
0xd9: {  	s24 =	sadd.s32 $0xC00, s26;
	s1 =	simm.s32 @!p0 $0xE;
	[sflag:s19] =	ssyncadd.s32 $0xFFFFE000  }
0xda: {  	[hbm4b:s24+s3] =	stream.linear.scatter [tilespmem:s7], [sflag:$0xC], $0x2000, $0x38;
	[tilespmem:$0x13400] =	vst v63  }
0xdb: {  	_ =	swait.ge @!p0 [sflag:s1], $0x2000  }
0xdc: {  	[sflag:s1] =	ssyncset.done @!p0 $0x0  }
0xdd: {  	s28 =	sadd.s32 $0x280, s0;
	[sflag:s1] =	ssyncadd.s32 @!p0 $0xFFFFE000  }
0xde: {  	[tilespmem:s20], [sflag:$0x6] =	stream.indirect.gather [hbm4b:s4+s11], $0x40, s28, s11, $0xb8;
	[tilespmem:$0x13400] =	vst v63  }
0xdf: {  	_ =	swait.ge [sflag:s21], $0x2000  }
0xe0: {  	s29 =	rddreg [dreg:$0x6];
	[sflag:s21] =	ssyncset.done $0x0  }
0xe1: {  	[sflag:s21] =	ssyncadd.s32 $0xFFFFE000;
	s1 =	sadd.s32 s10, s29  }
0xe2: {  	[hbm4b:s1+s3] =	stream.linear.scatter [tilespmem:s18], [sflag:$0xD], $0x2000, $0x38;
	[tilespmem:$0x13400] =	vst v63  }
0xe3: {  	s1 =	simm.s32 @!p0 $0xF  }
0xe4: {  	_ =	swait.ge @!p0 [sflag:s1], $0x2000  }
0xe5: {  	[sflag:s1] =	ssyncset.done @!p0 $0x0  }
0xe6: {  	s30 =	sadd.s32 $0x300, s0;
	[sflag:s1] =	ssyncadd.s32 @!p0 $0xFFFFE000  }
0xe7: {  	[tilespmem:s22], [sflag:$0x7] =	stream.indirect.gather [hbm4b:s4+s11], $0x40, s30, s11, $0xb8;
	[tilespmem:$0x13400] =	vst v63  }
0xe8: {  	_ =	swait.ge [sflag:s23], $0x2000  }
0xe9: {  	[sflag:s23] =	ssyncset.done $0x0  }
0xea: {  	s31 =	sadd.s32 $0x1400, s26;
	s1 =	simm.s32 @!p0 $0x10;
	[sflag:s23] =	ssyncadd.s32 $0xFFFFE000  }
0xeb: {  	[hbm4b:s31+s3] =	stream.linear.scatter [tilespmem:s20], [sflag:$0xE], $0x2000, $0x38;
	[tilespmem:$0x13400] =	vst v63  }
0xec: {  	_ =	swait.ge @!p0 [sflag:s1], $0x2000  }
0xed: {  	[sflag:s1] =	ssyncset.done @!p0 $0x0  }
0xee: {  	s2 =	simm.s32 $0x11400;
	s0 =	sadd.s32 $0x380, s0;
	[sflag:s1] =	ssyncadd.s32 @!p0 $0xFFFFE000  }
0xef: {  	[tilespmem:s2], [sflag:$0x8] =	stream.indirect.gather [hbm4b:s4+s11], $0x40, s0, s11, $0xb8;
	[tilespmem:$0x13400] =	vst v63  }
0xf0: {  	_ =	swait.ge [sflag:s25], $0x2000  }
0xf1: {  	s5 =	rddreg [dreg:$0x5];
	[sflag:s25] =	ssyncset.done $0x0  }
0xf2: {  	s6 =	simm.s32 $0x8;
	s0 =	sadd.s32 s10, s5;
	[sflag:s25] =	ssyncadd.s32 $0xFFFFE000  }
0xf3: {  	[hbm4b:s0+s3] =	stream.linear.scatter [tilespmem:s22], [sflag:$0xF], $0x2000, $0x38;
	[tilespmem:$0x13400] =	vst v63  }
0xf4: {  	_ =	swait.ge [sflag:s6], $0x2000  }
0xf5: {  	[sflag:s6] =	ssyncset.done $0x0  }
0xf6: {  	s8 =	simm.s32 $0x9;
	s7 =	rddreg [dreg:$0xb];
	[sflag:s6] =	ssyncadd.s32 $0xFFFFE000  }
0xf7: {  	[hbm4b:s7+s3] =	stream.linear.scatter [tilespmem:s2], [sflag:$0x10], $0x2000, $0x38;
	[tilespmem:$0x13400] =	vst v63  }
0xf8: {  	_ =	swait.ge [sflag:s8], $0x2000  }
0xf9: {  	[sflag:s8] =	ssyncset.done $0x0  }
0xfa: {  	s9 =	simm.s32 $0xA;
	[sflag:s8] =	ssyncadd.s32 $0xFFFFE000  }
0xfb: {  	_ =	swait.ge [sflag:s9], $0x2000  }
0xfc: {  	[sflag:s9] =	ssyncset.done $0x0  }
0xfd: {  	s10 =	simm.s32 $0xB;
	[sflag:s9] =	ssyncadd.s32 $0xFFFFE000  }
0xfe: {  	_ =	swait.ge [sflag:s10], $0x2000  }
0xff: {  	[sflag:s10] =	ssyncset.done $0x0  }
0x100: {  	s12 =	simm.s32 $0xC;
	[sflag:s10] =	ssyncadd.s32 $0xFFFFE000  }
0x101: {  	_ =	swait.ge [sflag:s12], $0x2000  }
0x102: {  	[sflag:s12] =	ssyncset.done $0x0  }
0x103: {  	s24 =	simm.s32 $0xD;
	[sflag:s12] =	ssyncadd.s32 $0xFFFFE000  }
0x104: {  	_ =	swait.ge [sflag:s24], $0x2000  }
0x105: {  	[sflag:s24] =	ssyncset.done $0x0  }
0x106: {  	s26 =	simm.s32 $0xE;
	[sflag:s24] =	ssyncadd.s32 $0xFFFFE000  }
0x107: {  	_ =	swait.ge [sflag:s26], $0x2000  }
0x108: {  	[sflag:s26] =	ssyncset.done $0x0  }
0x109: {  	s28 =	simm.s32 $0xF;
	[sflag:s26] =	ssyncadd.s32 $0xFFFFE000  }
0x10a: {  	_ =	swait.ge [sflag:s28], $0x2000  }
0x10b: {  	[sflag:s28] =	ssyncset.done $0x0  }
0x10c: {  	s29 =	simm.s32 $0x10;
	[sflag:s28] =	ssyncadd.s32 $0xFFFFE000  }
0x10d: {  	_ =	swait.ge [sflag:s29], $0x2000  }
0x10e: {  	s30 =	rddreg [dreg:$0xd]  }
0x10f: {  	s31 =	rddreg [dreg:$0xc];
	s2 =	sadd.s32 $0x1, s30  }
0x110: {  	p0 =	sne.s32 s2, s31  }
.Ltmp1:
0x111: {  	_ = 	snop;
	(pc) =	sbr.rel @p0 .LBB2_1-.Ltmp1, $3  }
0x112: {  	_ =	sdelay $0x1  }
0x113: {  	[sflag:s29] =	ssyncset.done $0x0  }
0x114: {  	s18 =	simm.s32 $0x11400;
	[sflag:s29] =	ssyncadd.s32 $0xFFFFE000  }
0x115: {  	_ =	sfence.sel $0x180000  }
0x116: {  	[bflag:$0x0] =	sbarrier.arrive $0xFFFF  }
0x117: {  	_ =	strace $0x90000047  }
0x118: {  	s0 =	stileid.u32;
	[bflag:$0x2] =	sbarrier.arrive $0xFFFF  }
0x119: {  	p0 =	sne.s32 s0, $0x0;
	s0 =	rddreg [dreg:$0x3]  }
0x11a: {  	s0 =	sadd.s32 @!p0 $0x100000, s0  }
0x11b: {  	[sflag:s0] =	ssyncadd.tile.s32 @!p0 $0x1;
	_ =	shalt  }
.Lfunc_end2:
_tile_overlayer_lowered:
.L_overlay_start_2:
0x11c: {  	(tag) =	ssettag $0x2  }
0x11d: {  	s0 =	rddreg [dreg:$0x0];
	s2 =	stileid.u32  }
0x11e: {  	s1 =	rddreg [dreg:$0x1];
	p0 =	sne.s32 s2, $0x0  }
0x11f: {  	s3 =	rddreg [dreg:$0x2];
	[bflag:$0x3] =	sbarrier.arrive $0xFFFF;
	s2 =	simm.s32 @!p0 $0x1C11  }
0x120: {  	[timem:s3], [sflag:s2] =	dma.local @!p0 [hbm:s0], s1  }
0x121: {  	s0 =	simm.s32 @!p0 $0x11  }
0x122: {  	_ =	swait.ge @!p0 [sflag:s0], s1  }
0x123: {  	s1 =	ssub.s32 @!p0 $0x0, s1;
	[sflag:s0] =	ssyncset.done @!p0 $0x0  }
0x124: {  	[sflag:s0] =	ssyncadd.s32 @!p0 s1  }
0x125: {  	[bflag:$0x3] =	sbarrier.arrive $0xFFFF  }
0x126: {  	_ =	shalt  }

// kernel: sparse-core-data-format-call.cloned.1.call-start
scs
called_computation_lowered:
.L_overlay_start_0:
0x0: {  	s2 =	sld [smem:$0x3FD9]  }
0x1: {  	s3 =	sld [smem:$0x3FFE];
	_ =	sdelay $0x1  }
0x2: {  	s1 =	srdreg.scid  }
0x3: {  	s0 =	sand.u32 $0x1, s1  }
0x4: {  	s18 =	sshll.u32 s0, $0xA;
	s2 =	sadd.s32 s3, s2  }
0x5: {  	s2 =	sadd.s32 s2, s18  }
0x6: {  	[smem:$0x3FC6] =	sst s2  }
0x7: {  	_ = 	snop  }
0x8: {  	s2 =	sld [smem:$0x3FD0];
	(tm) =	ssettm $0x1  }
0x9: {  	s19 =	sld [smem:$0x3FFB];
	_ =	sdelay $0x3  }
0xa: {  	_ =	strace s19  }
0xb: {  	s3 =	sld [smem:$0x3FFC];
	_ =	sdelay $0x3  }
0xc: {  	_ =	strace s3  }
0xd: {  	s3 =	sld [smem:$0x3FFD];
	_ =	sdelay $0x3  }
0xe: {  	_ =	strace s3  }
0xf: {  	_ =	strace $0x8FFFFFFF  }
0x10: {  	s20 =	sld [smem:$0x3FDB];
	_ =	sdelay $0x1  }
0x11: {  	s4 =	simm.s32 $_scs_section_size  }
0x12: {  	s5 =	simm.s32 $_size__tile_overlayer_lowered;
	s6 =	simm.s32 $_tile_overlayer_lowered  }
0x13: {  	s23 =	simm.s32 $0x1BFF;
	s22 =	sshll.u32 s6, $0x1;
	s3 =	sadd.s32 s4, s20  }
0x14: {  	s7 =	simm.s32 $0x0;
	s21 =	sshll.u32 s5, $0x1;
	s5 =	sadd.s32 s22, s3  }
0x15: {  	[timem:s7], [sflag:s23] =	dma.local [hbm:s5], s21  }
0x16: {  	_ =	swait.ge [sflag:s23], s21  }
0x17: {  	s4 =	ssub.s32 $0x0, s21;
	[sflag:s23] =	ssyncset.done $0x0  }
0x18: {  	[sflag:s23] =	ssyncadd.s32 s4;
	_ =	sdelay $0x1  }
0x19: {  	s24 =	simm.s32 $0x1B8B  }
0x1a: {  	_ =	swait.ge [sflag:s24], $0x1  }
0x1b: {  	[sflag:s24] =	ssyncset.done $0x0  }
0x1c: {  	s26 =	simm.s32 $0x1B8E;
	s25 =	sld [smem:$0x3FFE];
	[sflag:s24] =	ssyncadd.s32 $0xFFFFFFFF  }
0x1d: {  	s27 =	simm.s32 $execute0_lowered;
	[smem:$0x3FD2] =	sst s26  }
0x1e: {  	s5 =	sshll.u32 s27, $0x1;
	_ =	strace $0x80000049;
	[dreg:$0x1] =	wrdreg $0xFFFFFFFF  }
0x1f: {  	s28 =	simm.s32 $_size_execute0_lowered;
	s3 =	sadd.s32 s3, s5;
	[dreg:$0x0] =	wrdreg $0x0  }
0x20: {  	s5 =	sshll.u32 s28, $0x1;
	[dreg:$0x2] =	wrdreg s3  }
0x21: {  	[dreg:$0x3] =	wrdreg s5  }
0x22: {  	[dreg:$0x4] =	wrdreg $0xC0  }
0x23: {  	_ =	task [dreg:s7], $0x5FFFF  }
0x24: {  	[dreg:$0x1] =	wrdreg $0xFFFFFFFF  }
0x25: {  	[dreg:$0x0] =	wrdreg $0x60  }
0x26: {  	[dreg:$0x2] =	wrdreg s25  }
0x27: {  	[dreg:$0x3] =	wrdreg s2  }
0x28: {  	[dreg:$0x4] =	wrdreg $0x9  }
0x29: {  	_ =	task.clear_ibuf [dreg:s7], $0x5FFFF;
	_ =	strace $0x90000049  }
0x2a: {  	s29 =	simm.s32 $0x9;
	_ =	strace $0x8000004B  }
0x2b: {  	_ =	swait.ge [sflag:s29], $0x1  }
0x2c: {  	[sflag:s29] =	ssyncadd.s32 $0xFFFFFFFF  }
0x2d: {  	_ =	strace $0x9000004B  }
0x2e: {  	_ =	sfence  }
0x2f: {  	s30 =	sld [smem:$0x0];
	_ =	sdelay $0x2  }
0x30: {  	s31 =	sshll.u32 s1, $0xD;
	s1 =	sshrl.u32 s1, $0x2  }
0x31: {  	s3 =	sand.u32 $0x4000, s31;
	s1 =	sadd.s32 s1, s30  }
0x32: {  	s0 =	sor.u32 s3, s0;
	s1 =	sshll.u32 s1, $0x11  }
0x33: {  	s0 =	sor.u32 s1, s0  }
0x34: {  	s0 =	sadd.s32 $0x8F2B, s0  }
0x35: {  	[sflag:s0] =	ssyncadd.remote.s32 $0x1  }
0x36: {  	_ =	sfence.sel $0xFFFF  }
0x37: {  	[dreg:$0x0] =	wrdreg $0xFFFFFFFF;
	(pc) =	sbr.abs _section_cstart, $3  }
0x38: {  	[dreg:$0x1] =	wrdreg $0xFFFFFFFF  }
0x39: {  	_ =	task.clear_ibuf [dreg:s7], $0x2FFFF;
	_ =	strace $0x9FFFFFFF  }
0x3a: {  	(tm) =	ssettm $0x7FFFFFFF  }
0x3b: {  	_ =	shalt  }
tec
execute0_lowered:
.L_overlay_start_1:
0x0: {  	(tag) =	ssettag $0x1  }
0x1: {  	s0 =	srdreg.scid  }
0x2: {  	s1 =	sshll.u32 s0, $0x4  }
0x3: {  	s4 =	rddreg [dreg:$0x0];
	s0 =	stileid.u32;
	s1 =	sand.u32 $0x10, s1  }
0x4: {  	s2 =	rddreg [dreg:$0x1];
	s7 =	simm.s32 $0x1;
	s1 =	sor.u32 s0, s1  }
0x5: {  	s8 =	simm.s32 $0x2;
	s11 =	simm.s32 $0x0;
	s3 =	sshll.u32 s1, $0x7  }
0x6: {  	s10 =	simm.s32 $0x0;
	s4 =	sadd.s32 $0x800, s4;
	s6 =	ssub.s32 $0x68000, s3  }
.Ltmp0:
0x7: {  	s1 =	rddreg [dreg:$0x2];
	s5 =	sand.u32 $0xF80, s6;
	(pc) =	sbr.rel .LBB1_1-.Ltmp0, $4  }
0x8: {  	_ =	strace $0x8000004A;
	s9 =	smov.u32 s3;
	p0 =	sne.s32 s5, $0x0  }
0x9: {  	s6 =	sshrl.u32 s6, $0xC;
	s5 =	simm.s32 $0x1;
	s7 =	simm.s32 @!p0 $0x0  }
0xa: {  	[sflag:s5] =	ssyncpa.u1 $0x0;
	p0 =	por $0x0, $0x0;
	s6 =	sadd.s32 s7, s6  }
0xb: {  	[sflag:s8] =	ssyncpa.u1 $0x0;
	s8 =	simm.s32 $0x340000;
	s7 =	sadd.s32 $0x1, s6  }
.LBB1_4:
0xc: {  	s14 =	sshll.u32 s11, $0x3  }
0xd: {  	s30 =	sand.u32 $0x7F, s11;
	s15 =	sand.u32 $0xFFFFFC00, s14  }
0xe: {  	s11 =	sor.u32 s30, s15  }
0xf: {  	s15 =	smulhi.u32 $0x4EC4EC4F, s11  }
0x10: {  	s14 =	smulhi.u32 $0x4EC4EC4F, s14  }
0x11: {  	s15 =	sshrl.u32 s15, $0x11  }
0x12: {  	s14 =	sshrl.u32 s14, $0x11;
	s15 =	smul.u32 $0x68000, s15  }
0x13: {  	s14 =	sand.u32 $0x3F, s14  }
0x14: {  	s14 =	smul.u32 $0xD000, s14;
	s11 =	ssub.s32 s11, s15  }
0x15: {  	[tilespmem:s13+$0x810 ss:$0x81] =	vst.msk $0xffff, v2;
	s15 =	sand.u32 $0x7, s11  }
0x16: {  	[tilespmem:s13+$0x1020 ss:$0x81] =	vst.msk $0xffff, v0;
	s14 =	sadd.s32 s2, s14;
	s11 =	sshrl.u32 s11, $0x3;
	s15 =	sshll.u32 s15, $0x12  }
0x17: {  	[tilespmem:s13+$0x0 ss:$0x81] =	vst.msk $0xffff, v1;
	s11 =	sadd.s32 s11, s14;
	s31 =	sor.u32 $0x400, s15  }
0x18: {  	[hbm4b:s11+s31] =	stream.strided.scatter [tilespmem:s12], [sflag:$0x2], $0x2000, s8, s31, $0x20;
	[tilespmem:$0x8080] =	vst v63  }
.LBB1_5:
0x19: {  	s13 =	sadd.s32 $0x1000, s9  }
0x1a: {  	p2 =	sgt.s32 s13, $0x67FFF  }
0x1b: {  	s13 =	smov.u32 @p2 s3;
	p2 =	sne.s32 s10, s7  }
.Ltmp1:
0x1c: {  	p1 =	slt.u32 s10, $0x2;
	(pc) =	sbr.rel @!p2 .LBB1_6-.Ltmp1, $4  }
0x1d: {  	s12 =	simm.s32 @!p1 $0x2  }
0x1e: {  	s14 =	sadd.s32 $0x1, s10;
	_ =	swait.ge @!p1 [sflag:s12], $0x2000  }
0x1f: {  	s11 =	smov.u32 s9;
	p0 =	por !p0, !p0;
	[sflag:s12] =	ssyncset.done @!p1 $0x0  }
0x20: {  	s10 =	smov.u32 s14;
	s9 =	smov.u32 s13;
	[sflag:s12] =	ssyncadd.s32 @!p1 $0xFFFFE000  }
.LBB1_1:
0x21: {  	p1 =	sge.u32 s10, s6  }
0x22: {  	s12 =	sand.u32 @!p1 $0x1FFFFFF, s9  }
0x23: {  	s13 =	smulhi.u32 @!p1 $0x2762763, s12;
	_ =	sdelay $0x1  }
0x24: {  	s13 =	sshrl.u32 @!p1 s13, $0xC  }
0x25: {  	s13 =	smul.u32 @!p1 $0x68000, s13;
	_ =	sdelay $0x1  }
0x26: {  	s31 =	sadd.s32 $0xFFFFFFFF, s10;
	s14 =	sxor.u32 @!p1 $0xFFFFFFFF, s10;
	s12 =	ssub.s32 @!p1 s12, s13  }
0x27: {  	s15 =	simm.s32 @!p1 $0x80;
	s14 =	sshll.u32 @!p1 s14, $0xD;
	s12 =	sshll.u32 @!p1 s12, $0x4  }
0x28: {  	s13 =	sand.u32 @!p1 $0x2000, s14;
	s14 =	simm.s32 @!p1 $0x40;
	s12 =	sadd.s32 @!p1 s4, s12  }
0x29: {  	[tilespmem:s13], [sflag:$0x1] =	stream.strided.gather @!p1 [hbm4b:s12+s14], $0x2000, s15, s14, $0x38;
	[tilespmem:$0x8080] =	vst v63  }
0x2a: {  	p1 =	sge.u32 s31, s6  }
.Ltmp2:
0x2b: {  	_ = 	snop;
	(pc) =	sbr.rel @p1 .LBB1_5-.Ltmp2, $1  }
0x2c: {  	_ =	sdelay $0x3  }
0x2d: {  	s12 =	simm.s32 $0x1  }
0x2e: {  	_ =	swait.ge [sflag:s5], $0x2000;
	s12 =	simm.s32 @!p0 $0x0  }
0x2f: {  	[sflag:s5] =	ssyncset.done $0x0;
	s13 =	sshll.u32 s12, $0xD  }
0x30: {  	[sflag:s5] =	ssyncadd.s32 $0xFFFFE000;
	s16 =	sor.u32 $0x20, s13  }
0x31: {  	s12 =	smul.u32 $0x8100, s12;
	v3 =	vld [tilespmem:s16+$0x10]  }
0x32: {  	s30 =	sand.u32 $0x1, s10;
	v2 =	vld [tilespmem:s16+$0xFFFFFFF0]  }
0x33: {  	s13 =	smul.u32 $0x8100, s30;
	s12 =	sshrl.u32 s12, $0x2;
	v0 =	vld [tilespmem:s16+$0x0]  }
0x34: {  	v1 =	vld [tilespmem:s16+$0xFFFFFFE0];
	s14 =	sor.u32 $0x4000, s12  }
0x35: {  	s31 =	sshrl.u32 s13, $0x2;
	s13 =	sadd.s32 $0x0, s14  }
0x36: {  	s15 =	simm.s32 $0x4;
	s16 =	sadd.s32 $0x40, s16;
	s12 =	sor.u32 $0x4000, s31;
	[tilespmem:s13+$0x1830 ss:$0x81] =	vst.msk $0xffff, v3  }
.LBB1_3:
0x37: {  	v3 =	vld [tilespmem:s16+$0x10];
	p1 =	sne.s32 s15, $0x1FC;
	[tilespmem:s13+$0x810 ss:$0x81] =	vst.msk $0xffff, v2;
	s17 =	smov.u32 s15;
	s15 =	sadd.s32 $0x4, s15  }
.Ltmp3:
0x38: {  	v2 =	vld [tilespmem:s16+$0xFFFFFFF0];
	[tilespmem:s13+$0x1020 ss:$0x81] =	vst.msk $0xffff, v0;
	(pc) =	sbr.rel @p1 .LBB1_3-.Ltmp3, $4  }
0x39: {  	v0 =	vld [tilespmem:s16+$0x0];
	[tilespmem:s13+$0x0 ss:$0x81] =	vst.msk $0xffff, v1  }
0x3a: {  	s13 =	sshra.s32 s17, $0x2;
	v1 =	vld [tilespmem:s16+$0xFFFFFFE0]  }
0x3b: {  	s13 =	sadd.s32 s13, s14  }
0x3c: {  	s16 =	sadd.s32 $0x40, s16;
	[tilespmem:s13+$0x1830 ss:$0x81] =	vst.msk $0xffff, v3  }
.Ltmp4:
0x3d: {  	_ = 	snop;
	(pc) =	sbr.rel .LBB1_4-.Ltmp4, $1  }
0x3e: {  	_ =	sdelay $0x3  }
.LBB1_6:
0x3f: {  	_ =	sfence.sel $0x180000  }
0x40: {  	s2 =	simm.s32 $0x1;
	[bflag:$0x0] =	sbarrier.arrive $0xFFFF  }
0x41: {  	s31 =	simm.s32 $0x2;
	[sflag:s2] =	ssyncpa.u1 $0x1  }
0x42: {  	[sflag:s31] =	ssyncpa.u1 $0x1  }
0x43: {  	p0 =	sne.s32 s0, $0x0;
	_ =	strace $0x9000004A  }
0x44: {  	s0 =	sadd.s32 @!p0 $0x100000, s1;
	[bflag:$0x2] =	sbarrier.arrive $0xFFFF  }
0x45: {  	[sflag:s0] =	ssyncadd.tile.s32 @!p0 $0x1;
	_ =	shalt  }
.Lfunc_end1:
_tile_overlayer_lowered:
.L_overlay_start_2:
0x46: {  	(tag) =	ssettag $0x2  }
0x47: {  	s0 =	rddreg [dreg:$0x0];
	s2 =	stileid.u32  }
0x48: {  	s1 =	rddreg [dreg:$0x1];
	p0 =	sne.s32 s2, $0x0  }
0x49: {  	s3 =	rddreg [dreg:$0x2];
	[bflag:$0x3] =	sbarrier.arrive $0xFFFF;
	s2 =	simm.s32 @!p0 $0x1C01  }
0x4a: {  	[timem:s3], [sflag:s2] =	dma.local @!p0 [hbm:s0], s1  }
0x4b: {  	s0 =	simm.s32 @!p0 $0x1  }
0x4c: {  	_ =	swait.ge @!p0 [sflag:s0], s1  }
0x4d: {  	s1 =	ssub.s32 @!p0 $0x0, s1;
	[sflag:s0] =	ssyncset.done @!p0 $0x0  }
0x4e: {  	[sflag:s0] =	ssyncadd.s32 @!p0 s1  }
0x4f: {  	[bflag:$0x3] =	sbarrier.arrive $0xFFFF  }
0x50: {  	_ =	shalt  }

</sc_bundles>
